<compile_context>
chip_gen: v7x
topology: tpu7x:2x2x1
jax: 0.10.2.dev20260603
libtpu: 0.0.44.dev20260713+nightly
codegen_flags: <defaults>
</compile_context>

<pallas_src>
import functools

import jax
import jax.numpy as jnp
from jax import lax
from jax.experimental import pallas as pl
from jax.experimental.pallas import tpu as pltpu
from jax.experimental.pallas import tpu_sc as plsc

_KNN = 16
_BQ1 = 256
_BQ3 = 128


def _topk_body(prow_ref, ptsT_ref, pid_ref):
    p = prow_ref[...]
    pt = ptsT_ref[...]
    dot = jnp.dot(p, pt, preferred_element_type=jnp.float32)
    rb = jnp.sum(p * p, axis=1, keepdims=True)
    ra = jnp.sum(pt * pt, axis=0, keepdims=True)
    dis = rb - 2.0 * dot + ra
    u0 = jax.lax.bitcast_convert_type(dis, jnp.int32)
    u = jnp.where(u0 < 0, u0 ^ jnp.int32(0x7FFFFFFF), u0)
    lanes = jax.lax.broadcasted_iota(jnp.int32, u.shape, 1)
    packed = ((u + jnp.int32(4096)) & jnp.int32(-8192)) | lanes
    big = jnp.int32(0x7FFFFFFF)
    cols = [jnp.min(packed, axis=1, keepdims=True)]
    for _ in range(_KNN - 1):
        cols.append(jnp.min(jnp.where(packed > cols[-1], packed, big),
                            axis=1, keepdims=True))
    pid_ref[...] = jnp.concatenate(cols, axis=1) & jnp.int32(8191)


def _topk(pts_pad, ptsT):
    n = pts_pad.shape[0]
    grid = n // _BQ1
    return pl.pallas_call(
        _topk_body,
        grid=(grid,),
        in_specs=[
            pl.BlockSpec((_BQ1, 8), lambda i: (i, 0)),
            pl.BlockSpec((8, n), lambda i: (0, 0)),
        ],
        out_specs=pl.BlockSpec((_BQ1, _KNN), lambda i: (i, 0)),
        out_shape=jax.ShapeDtypeStruct((n, _KNN), jnp.int32),
    )(pts_pad, ptsT)


def _gather_sc(ptsT, pid_flat):
    n = ptsT.shape[1]
    n16 = pid_flat.shape[0]
    nw = 32
    per_w = n16 // nw
    nvec = per_w // 16
    mesh = plsc.VectorSubcoreMesh(core_axis_name="c", subcore_axis_name="s")

    @functools.partial(
        pl.kernel, mesh=mesh,
        compiler_params=pltpu.CompilerParams(needs_layout_passes=False),
        out_type=jax.ShapeDtypeStruct((n16 * 8,), jnp.float32),
        scratch_types=[
            pltpu.VMEM((n,), jnp.float32),
            pltpu.VMEM((n,), jnp.float32),
            pltpu.VMEM((n,), jnp.float32),
            pltpu.VMEM((per_w,), jnp.int32),
            pltpu.VMEM((per_w * 8,), jnp.float32),
        ],
    )
    def k(pts_hbm, idx_hbm, out_hbm, px_v, py_v, pz_v, idx_v, rows_v):
        wid = lax.axis_index("s") * 2 + lax.axis_index("c")
        base = wid * per_w
        pltpu.sync_copy(pts_hbm.at[0], px_v)
        pltpu.sync_copy(pts_hbm.at[1], py_v)
        pltpu.sync_copy(pts_hbm.at[2], pz_v)
        pltpu.sync_copy(idx_hbm.at[pl.ds(base, per_w)], idx_v)
        zeros = jnp.zeros((16,), jnp.float32)
        lane = lax.iota(jnp.int32, 16)

        def body(i, _):
            off = pl.multiple_of(i * 16, 16)
            idxv = idx_v[pl.ds(off, 16)]
            fbase = (lane + off) * 8
            for c, src in ((0, px_v), (1, py_v), (2, pz_v)):
                vals = plsc.load_gather(src, [idxv])
                plsc.store_scatter(rows_v, [fbase + c], vals)
            for c in range(3, 8):
                plsc.store_scatter(rows_v, [fbase + c], zeros)
            return 0

        lax.fori_loop(0, nvec, body, 0)
        pltpu.sync_copy(rows_v, out_hbm.at[pl.ds(base * 8, per_w * 8)])

    return k(ptsT, pid_flat).reshape(n16, 8)


def _feat_body(g_ref, w0_ref, w1_ref, w2_ref, w3_ref, w4_ref, up_ref):
    bq = up_ref.shape[0]
    g = g_ref[...].reshape(bq, _KNN, 8)
    center = g[:, 0:1, :]
    pc = g - center
    vn2 = jnp.sum(pc * pc, axis=2, keepdims=True)
    vn = jnp.sqrt(vn2)
    mx = jnp.max(vn, axis=1, keepdims=True)
    kio = jax.lax.broadcasted_iota(jnp.int32, vn.shape, 1)
    id1 = jnp.min(jnp.where(vn == mx, kio, jnp.int32(99)), axis=1,
                  keepdims=True)
    sel = (kio == id1).astype(jnp.float32)
    a1 = jnp.sum(pc * sel, axis=1, keepdims=True)
    a1 = a1 / (jnp.sqrt(jnp.sum(a1 * a1, axis=2, keepdims=True)) + 1e-7)
    a2 = jnp.mean(pc, axis=1, keepdims=True)
    a2 = a2 / (jnp.sqrt(jnp.sum(a2 * a2, axis=2, keepdims=True)) + 1e-7)
    a3 = a1 + 1.5 * a2
    a3 = a3 / (jnp.sqrt(jnp.sum(a3 * a3, axis=2, keepdims=True)) + 1e-7)
    alln = vn + 1e-7
    f1 = jnp.sum(pc * a1, axis=2, keepdims=True) / alln
    f2 = jnp.sum(pc * a2, axis=2, keepdims=True) / alln
    f3 = jnp.sum(pc * a3, axis=2, keepdims=True) / alln
    zpad = jnp.zeros_like(vn)
    x = jnp.concatenate([f1, f2, f3, vn, zpad, zpad, zpad, zpad], axis=2)
    x = x.reshape(bq * _KNN, 8)
    x = jax.nn.relu(jnp.dot(x, w0_ref[...], preferred_element_type=jnp.float32))
    for wr in (w1_ref, w2_ref, w3_ref, w4_ref):
        x = jax.nn.relu(jnp.dot(x, wr[...],
                                preferred_element_type=jnp.float32))
    x = x.reshape(bq, _KNN, 64)
    up_ref[...] = jnp.max(x, axis=1)


def _feat(knn_rows, gw0p, gw1, gw2, gw3, gw4):
    n = knn_rows.shape[0] // _KNN
    grid = n // _BQ3
    rows = _BQ3 * _KNN
    full = lambda a: pl.BlockSpec(a.shape, lambda i: tuple(0 for _ in a.shape))
    return pl.pallas_call(
        _feat_body,
        grid=(grid,),
        in_specs=[
            pl.BlockSpec((rows, 8), lambda i: (i, 0)),
            full(gw0p), full(gw1), full(gw2), full(gw3), full(gw4),
        ],
        out_specs=pl.BlockSpec((_BQ3, 64), lambda i: (i, 0)),
        out_shape=jax.ShapeDtypeStruct((n, 64), jnp.float32),
    )(knn_rows, gw0p, gw1, gw2, gw3, gw4)


def _down_body(pts_ref, down_ref):
    px = pts_ref[...]
    vn2 = jnp.sum(px * px, axis=1, keepdims=True)
    vn = jnp.sqrt(vn2)
    rio = jax.lax.broadcasted_iota(jnp.int32, vn.shape, 0)
    big = jnp.int32(1 << 30)

    def _axis_from(extreme):
        sel_idx = jnp.min(jnp.where(vn == extreme, rio, big), axis=0,
                          keepdims=True)
        onehot = (rio == sel_idx).astype(jnp.float32)
        a = jnp.sum(px * onehot, axis=0, keepdims=True)
        return a / (jnp.sqrt(jnp.sum(a * a, axis=1, keepdims=True)) + 1e-7)

    a1 = _axis_from(jnp.max(vn, axis=0, keepdims=True))
    a2 = _axis_from(jnp.min(vn, axis=0, keepdims=True))
    a3 = a1 + 1.5 * a2
    a3 = a3 / (jnp.sqrt(jnp.sum(a3 * a3, axis=1, keepdims=True)) + 1e-7)
    alln = vn + 1e-7
    f1 = jnp.sum(px * a1, axis=1, keepdims=True) / alln
    f2 = jnp.sum(px * a2, axis=1, keepdims=True) / alln
    f3 = jnp.sum(px * a3, axis=1, keepdims=True) / alln
    down_ref[...] = jnp.concatenate([f1, f2, f3, vn], axis=1)


def _down(pts_pad):
    n = pts_pad.shape[0]
    full = lambda a: pl.BlockSpec(a, lambda: tuple(0 for _ in a))
    return pl.pallas_call(
        _down_body,
        in_specs=[full(pts_pad.shape)],
        out_specs=full((n, 4)),
        out_shape=jax.ShapeDtypeStruct((n, 4), jnp.float32),
    )(pts_pad)


def _bn_planes(y, g, b):
    m = jnp.mean(y, axis=1, keepdims=True)
    v = jnp.mean((y - m) ** 2, axis=1, keepdims=True)
    return g * (y - m) / jnp.sqrt(v + 1e-5) + b


def _tail1_body(xd_ref, up_ref,
                w1_ref, b1_ref, g1_ref, e1_ref,
                w2_ref, b2_ref, g2_ref, e2_ref,
                w3_ref, b3_ref, g3_ref, e3_ref,
                y3_ref):
    f32 = jnp.float32
    y1 = jnp.dot(w1_ref[...], xd_ref[...], preferred_element_type=f32)
    y1 = jax.nn.relu(_bn_planes(y1 + b1_ref[...], g1_ref[...], e1_ref[...]))
    y2 = jnp.dot(w2_ref[...], y1, preferred_element_type=f32)
    y2 = jax.nn.relu(_bn_planes(y2 + b2_ref[...], g2_ref[...], e2_ref[...]))
    emb = jnp.concatenate([up_ref[...], y2], axis=0)
    y3 = jnp.dot(w3_ref[...], emb, preferred_element_type=f32)
    y3_ref[...] = jax.nn.relu(
        _bn_planes(y3 + b3_ref[...], g3_ref[...], e3_ref[...]))


def _tail1(xd8, up_s, m1w1p, m1b1, m1g1, m1e1, m1w2, m1b2, m1g2, m1e2,
           m2w1, m2b1, m2g1, m2e1):
    n = xd8.shape[1]
    args = [
        xd8, up_s,
        m1w1p, m1b1[:, None], m1g1[:, None], m1e1[:, None],
        m1w2, m1b2[:, None], m1g2[:, None], m1e2[:, None],
        m2w1, m2b1[:, None], m2g1[:, None], m2e1[:, None],
    ]
    full = lambda a: pl.BlockSpec(a.shape, lambda: tuple(0 for _ in a.shape))
    return pl.pallas_call(
        _tail1_body,
        in_specs=[full(a) for a in args],
        out_specs=pl.BlockSpec((256, n), lambda: (0, 0)),
        out_shape=jax.ShapeDtypeStruct((256, n), jnp.float32),
    )(*args)


def _tail2_body(y3_ref, w4_ref, b4_ref, g4_ref, e4_ref, out_ref):
    y4 = jnp.dot(w4_ref[...], y3_ref[...],
                 preferred_element_type=jnp.float32)
    out_ref[...] = jax.nn.relu(
        _bn_planes(y4 + b4_ref[...], g4_ref[...], e4_ref[...]))


def _tail2(y3, m2w2, m2b2, m2g2, m2e2):
    n = y3.shape[1]
    bc = 256
    grid = m2w2.shape[0] // bc
    return pl.pallas_call(
        _tail2_body,
        grid=(grid,),
        in_specs=[
            pl.BlockSpec(y3.shape, lambda i: (0, 0)),
            pl.BlockSpec((bc, m2w2.shape[1]), lambda i: (i, 0)),
            pl.BlockSpec((bc, 1), lambda i: (i, 0)),
            pl.BlockSpec((bc, 1), lambda i: (i, 0)),
            pl.BlockSpec((bc, 1), lambda i: (i, 0)),
        ],
        out_specs=pl.BlockSpec((bc, n), lambda i: (i, 0)),
        out_shape=jax.ShapeDtypeStruct((m2w2.shape[0], n), jnp.float32),
    )(y3, m2w2, m2b2[:, None], m2g2[:, None], m2e2[:, None])


def kernel(points, gw0, gw1, gw2, gw3, gw4,
           m1w1, m1b1, m1g1, m1e1, m1w2, m1b2, m1g2, m1e2,
           m2w1, m2b1, m2g1, m2e1, m2w2, m2b2, m2g2, m2e2):
    n = points.shape[1]
    pts = points[0]
    pts_pad = jnp.concatenate(
        [pts, jnp.zeros((n, 5), jnp.float32)], axis=1)
    ptsT = pts_pad.T

    pid = _topk(pts_pad, ptsT)
    knn_rows = _gather_sc(ptsT, pid.reshape(-1))

    gw0p = jnp.concatenate([gw0, jnp.zeros((4, 64), jnp.float32)], axis=0)
    up = _feat(knn_rows, gw0p, gw1, gw2, gw3, gw4)
    up_s = up.reshape(64, n)

    down = _down(pts_pad)
    xd8 = jnp.concatenate(
        [down.reshape(4, n), jnp.zeros((4, n), jnp.float32)], axis=0)

    y3 = _tail1(xd8, up_s,
                jnp.concatenate([m1w1, jnp.zeros((64, 4), jnp.float32)],
                                axis=1),
                m1b1, m1g1, m1e1, m1w2, m1b2, m1g2, m1e2,
                m2w1, m2b1, m2g1, m2e1)
    y = _tail2(y3, m2w2, m2b2, m2g2, m2e2)
    return y.reshape(1, 1024, n, 1)

# --- scband reference (transcript-rebuilt; emitter-appended) ---
"""Pipeline reference for scband-rotation-invariant-feat-35493609734278 (READ-ONLY COPY).

The authoritative reference and input builder live on the scoring server;
editing this copy changes nothing except your own understanding.
"""

import jax, jax.numpy as jnp
import numpy as np

KNN = 16


def _normalize(v):
    return v / (jnp.linalg.norm(v, axis=-1, keepdims=True) + 1e-07)


def _bn(x, g, b):
    # x: [C, N]; BatchNorm2d in training mode (biased variance, eps=1e-5)
    m = jnp.mean(x, axis=1, keepdims=True)
    v = jnp.var(x, axis=1, keepdims=True)
    return g[:, None] * (x - m) / jnp.sqrt(v + 1e-05) + b[:, None]


def _cbr(x, w, b, g, be):
    # 1x1 Conv2d == channel-wise linear; x: [Cin, N] -> [Cout, N]
    y = jnp.matmul(w, x) + b[:, None]
    return jax.nn.relu(_bn(y, g, be))


def _proj_points(pc):
    # pc: [B, N, 3] -> [B, N, 4]
    vn = jnp.sqrt(jnp.sum(pc * pc, axis=-1))  # [B, N]
    _, id1 = jax.lax.top_k(vn, 1)
    axis1 = _normalize(jnp.take_along_axis(pc, id1[..., None], axis=1)[:, 0, :])
    _, id2 = jax.lax.top_k(-vn, 1)
    axis2 = _normalize(jnp.take_along_axis(pc, id2[..., None], axis=1)[:, 0, :])
    axis3 = _normalize(axis1 + 1.5 * axis2)
    alln = jnp.linalg.norm(pc, axis=-1, keepdims=True) + 1e-07
    f1 = jnp.sum(pc * axis1[:, None, :], axis=-1, keepdims=True) / alln
    f2 = jnp.sum(pc * axis2[:, None, :], axis=-1, keepdims=True) / alln
    f3 = jnp.sum(pc * axis3[:, None, :], axis=-1, keepdims=True) / alln
    f4 = vn[..., None]
    return jnp.concatenate([f1, f2, f3, f4], axis=2)


def _proj_knn(pc):
    # pc: [B, N, K, 3] -> [B, N, K, 4]
    center = pc[:, :, 0:1, :]
    pc = pc - center
    vn = jnp.sqrt(jnp.sum(pc * pc, axis=-1))  # [B, N, K]
    _, id1 = jax.lax.top_k(vn, 1)  # [B, N, 1]
    axis1 = _normalize(jnp.take_along_axis(pc, id1[..., None], axis=2)[:, :, 0, :])
    axis2 = _normalize(jnp.mean(pc, axis=2))
    axis3 = _normalize(axis1 + 1.5 * axis2)
    alln = jnp.linalg.norm(pc, axis=-1, keepdims=True) + 1e-07
    f1 = jnp.sum(pc * axis1[:, :, None, :], axis=-1, keepdims=True) / alln
    f2 = jnp.sum(pc * axis2[:, :, None, :], axis=-1, keepdims=True) / alln
    f3 = jnp.sum(pc * axis3[:, :, None, :], axis=-1, keepdims=True) / alln
    f4 = vn[..., None]
    return jnp.concatenate([f1, f2, f3, f4], axis=3)


def _forward(points, gw0, gw1, gw2, gw3, gw4,
             m1w1, m1b1, m1g1, m1e1, m1w2, m1b2, m1g2, m1e2,
             m2w1, m2b1, m2g1, m2e1, m2w2, m2b2, m2g2, m2e2):
    B, N, _ = points.shape
    # knn_search: pairwise squared distances + top-k + gather
    r = jnp.sum(points * points, axis=2, keepdims=True)  # [B, N, 1]
    dis = r - 2.0 * jnp.matmul(points, jnp.swapaxes(points, 1, 2)) + jnp.swapaxes(r, 1, 2)
    _, pid = jax.lax.top_k(-dis, KNN)  # [B, N, KNN]
    bidx = jnp.arange(B)[:, None, None]
    knn_points = points[bidx, pid]  # [B, N, KNN, 3]
    # projection_convert 'knn_points'
    feat = _proj_knn(knn_points)  # [B, N, KNN, 4]
    # graph_conv: 5 linear+relu layers with fixed (random-init) weights, zero bias
    x = feat.reshape(-1, 4)
    x = jax.nn.relu(jnp.matmul(x, gw0))
    for w in (gw1, gw2, gw3, gw4):
        x = jax.nn.relu(jnp.matmul(x, w))
    x = x.reshape(B, N, KNN, 64)
    x = jnp.max(x, axis=2, keepdims=True)  # MaxPool2d((KNN,1)) -> [B, N, 1, 64]
    # faithful raw view (NOT a transpose) as in original torch code
    emb_up = x.reshape(1, 64, N, 1)
    # projection_convert 'points' + faithful raw view
    down = _proj_points(points)  # [B, N, 4]
    emb_down = down.reshape(1, 4, N, 1)
    xd = emb_down[0, :, :, 0]  # [4, N]
    xd = _cbr(xd, m1w1, m1b1, m1g1, m1e1)  # [64, N]
    xd = _cbr(xd, m1w2, m1b2, m1g2, m1e2)  # [128, N]
    emb = jnp.concatenate([emb_up[0, :, :, 0], xd], axis=0)  # [192, N]
    y = _cbr(emb, m2w1, m2b1, m2g1, m2e1)  # [256, N]
    y = _cbr(y, m2w2, m2b2, m2g2, m2e2)  # [1024, N]
    return y.reshape(1, 1024, N, 1)


def setup_inputs(seed: int = 0):
    key = jax.random.key(seed)
    ks = jax.random.split(key, 12)
    N = 8192
    points = jax.random.normal(ks[0], (1, N, 3), dtype=jnp.float32)
    r0 = float(np.sqrt(6.0 / (4 + 64)))
    r1 = float(np.sqrt(6.0 / (64 + 64)))
    inp = {
        'points': points,
        'gw0': jax.random.uniform(ks[1], (4, 64), minval=-r0, maxval=r0),
        'gw1': jax.random.uniform(ks[2], (64, 64), minval=-r1, maxval=r1),
        'gw2': jax.random.uniform(ks[3], (64, 64), minval=-r1, maxval=r1),
        'gw3': jax.random.uniform(ks[4], (64, 64), minval=-r1, maxval=r1),
        'gw4': jax.random.uniform(ks[5], (64, 64), minval=-r1, maxval=r1),
        'm1w1': jax.random.normal(ks[6], (64, 4)) * 0.1,
        'm1b1': jnp.zeros((64,)), 'm1g1': jnp.ones((64,)), 'm1e1': jnp.zeros((64,)),
        'm1w2': jax.random.normal(ks[7], (128, 64)) * 0.1,
        'm1b2': jnp.zeros((128,)), 'm1g2': jnp.ones((128,)), 'm1e2': jnp.zeros((128,)),
        'm2w1': jax.random.normal(ks[8], (256, 192)) * 0.05,
        'm2b1': jnp.zeros((256,)), 'm2g1': jnp.ones((256,)), 'm2e1': jnp.zeros((256,)),
        'm2w2': jax.random.normal(ks[9], (1024, 256)) * 0.05,
        'm2b2': jnp.zeros((1024,)), 'm2g2': jnp.ones((1024,)), 'm2e2': jnp.zeros((1024,)),
    }
    return inp


def reference(points, gw0, gw1, gw2, gw3, gw4,
              m1w1, m1b1, m1g1, m1e1, m1w2, m1b2, m1g2, m1e2,
              m2w1, m2b1, m2g1, m2e1, m2w2, m2b2, m2g2, m2e2):
    return _forward(points, gw0, gw1, gw2, gw3, gw4,
                    m1w1, m1b1, m1g1, m1e1, m1w2, m1b2, m1g2, m1e2,
                    m2w1, m2b1, m2g1, m2e1, m2w2, m2b2, m2g2, m2e2)

if __name__ == "__main__":
    import jax
    _d = setup_inputs()
    print(jax.jit(kernel)(*tuple(_d.values())))

</pallas_src>

<mosaic_0001>
#map = affine_map<(d0, d1) -> (0, 0)>
#map1 = affine_map<(d0, d1) -> (0)>
module attributes {stable_mosaic.version = 14 : i64} {
  func.func @k(%arg0: i32, %arg1: i32, %arg2: memref<8x8192xf32, #tpu.memory_space<hbm>>, %arg3: memref<131072xi32, #tpu.memory_space<hbm>>, %arg4: memref<1048576xf32, #tpu.memory_space<hbm>>, %arg5: memref<8192xf32, #tpu.memory_space<vmem>>, %arg6: memref<8192xf32, #tpu.memory_space<vmem>>, %arg7: memref<8192xf32, #tpu.memory_space<vmem>>, %arg8: memref<4096xi32, #tpu.memory_space<vmem>>, %arg9: memref<32768xf32, #tpu.memory_space<vmem>>) attributes {dimension_semantics = [#tpu.dimension_semantics<core_parallel>, #tpu.dimension_semantics<subcore_parallel>], iteration_bounds = array<i64: 2, 16>, scalar_prefetch = 0 : i64, scratch_operands = 5 : i64, tpu.core_type = #tpu.core_type<sc_vector_subcore>, window_params = [{transform_indices = #map}, {transform_indices = #map1}, {transform_indices = #map1}]} {
    %mul3A = arith.constant 2 : i32
    %mul3A_0 = arith.muli %arg1, %mul3A : i32
    %add3A = arith.addi %mul3A_0, %arg0 : i32
    %mul3A_1 = arith.constant 4096 : i32
    %mul3A_2 = arith.muli %add3A, %mul3A_1 : i32
    %run_scoped3A = arith.constant 0 : i32
    "tpu.region"() ({
      %run_scoped3A_14 = tpu.sem_alloc : memref<!tpu.dma_semaphore, #tpu.memory_space<semaphore_mem>>
      %dma_start3A = arith.constant 0 : i32
      %dma_start3A_15 = tpu.memref_slice %arg2[%run_scoped3A, %dma_start3A] : memref<8x8192xf32, #tpu.memory_space<hbm>> -> memref<1x8192xf32, #tpu.memory_space<hbm>>
      %dma_start3A_16 = tpu.memref_squeeze %dma_start3A_15 : memref<1x8192xf32, #tpu.memory_space<hbm>> -> memref<8192xf32, #tpu.memory_space<hbm>>
      %dma_start3A_17 = arith.constant 0 : i32
      %dma_start3A_18 = tpu.memref_slice %arg2[%run_scoped3A, %dma_start3A_17] : memref<8x8192xf32, #tpu.memory_space<hbm>> -> memref<1x8192xf32, #tpu.memory_space<hbm>>
      %dma_start3A_19 = tpu.memref_squeeze %dma_start3A_18 : memref<1x8192xf32, #tpu.memory_space<hbm>> -> memref<8192xf32, #tpu.memory_space<hbm>>
      tpu.enqueue_dma source(%dma_start3A_19 : memref<8192xf32, #tpu.memory_space<hbm>>) target(%arg5 : memref<8192xf32, #tpu.memory_space<vmem>>) target_semaphore(%run_scoped3A_14 : memref<!tpu.dma_semaphore, #tpu.memory_space<semaphore_mem>>)
      %dma_wait3A = arith.constant 0 : i32
      %dma_wait3A_20 = tpu.memref_slice %arg2[%run_scoped3A, %dma_wait3A] : memref<8x8192xf32, #tpu.memory_space<hbm>> -> memref<1x8192xf32, #tpu.memory_space<hbm>>
      %dma_wait3A_21 = tpu.memref_squeeze %dma_wait3A_20 : memref<1x8192xf32, #tpu.memory_space<hbm>> -> memref<8192xf32, #tpu.memory_space<hbm>>
      %dma_wait3A_22 = arith.constant 0 : i32
      %dma_wait3A_23 = tpu.memref_slice %arg2[%run_scoped3A, %dma_wait3A_22] : memref<8x8192xf32, #tpu.memory_space<hbm>> -> memref<1x8192xf32, #tpu.memory_space<hbm>>
      %dma_wait3A_24 = tpu.memref_squeeze %dma_wait3A_23 : memref<1x8192xf32, #tpu.memory_space<hbm>> -> memref<8192xf32, #tpu.memory_space<hbm>>
      tpu.wait_dma2 semaphore(%run_scoped3A_14 : memref<!tpu.dma_semaphore, #tpu.memory_space<semaphore_mem>>) src(%dma_wait3A_24 : memref<8192xf32, #tpu.memory_space<hbm>>) dst(%arg5 : memref<8192xf32, #tpu.memory_space<vmem>>)
      tpu.yield
    }) : () -> ()
    %run_scoped3A_3 = arith.constant 1 : i32
    "tpu.region"() ({
      %run_scoped3A_14 = tpu.sem_alloc : memref<!tpu.dma_semaphore, #tpu.memory_space<semaphore_mem>>
      %dma_start3A = arith.constant 0 : i32
      %dma_start3A_15 = tpu.memref_slice %arg2[%run_scoped3A_3, %dma_start3A] : memref<8x8192xf32, #tpu.memory_space<hbm>> -> memref<1x8192xf32, #tpu.memory_space<hbm>>
      %dma_start3A_16 = tpu.memref_squeeze %dma_start3A_15 : memref<1x8192xf32, #tpu.memory_space<hbm>> -> memref<8192xf32, #tpu.memory_space<hbm>>
      %dma_start3A_17 = arith.constant 0 : i32
      %dma_start3A_18 = tpu.memref_slice %arg2[%run_scoped3A_3, %dma_start3A_17] : memref<8x8192xf32, #tpu.memory_space<hbm>> -> memref<1x8192xf32, #tpu.memory_space<hbm>>
      %dma_start3A_19 = tpu.memref_squeeze %dma_start3A_18 : memref<1x8192xf32, #tpu.memory_space<hbm>> -> memref<8192xf32, #tpu.memory_space<hbm>>
      tpu.enqueue_dma source(%dma_start3A_19 : memref<8192xf32, #tpu.memory_space<hbm>>) target(%arg6 : memref<8192xf32, #tpu.memory_space<vmem>>) target_semaphore(%run_scoped3A_14 : memref<!tpu.dma_semaphore, #tpu.memory_space<semaphore_mem>>)
      %dma_wait3A = arith.constant 0 : i32
      %dma_wait3A_20 = tpu.memref_slice %arg2[%run_scoped3A_3, %dma_wait3A] : memref<8x8192xf32, #tpu.memory_space<hbm>> -> memref<1x8192xf32, #tpu.memory_space<hbm>>
      %dma_wait3A_21 = tpu.memref_squeeze %dma_wait3A_20 : memref<1x8192xf32, #tpu.memory_space<hbm>> -> memref<8192xf32, #tpu.memory_space<hbm>>
      %dma_wait3A_22 = arith.constant 0 : i32
      %dma_wait3A_23 = tpu.memref_slice %arg2[%run_scoped3A_3, %dma_wait3A_22] : memref<8x8192xf32, #tpu.memory_space<hbm>> -> memref<1x8192xf32, #tpu.memory_space<hbm>>
      %dma_wait3A_24 = tpu.memref_squeeze %dma_wait3A_23 : memref<1x8192xf32, #tpu.memory_space<hbm>> -> memref<8192xf32, #tpu.memory_space<hbm>>
      tpu.wait_dma2 semaphore(%run_scoped3A_14 : memref<!tpu.dma_semaphore, #tpu.memory_space<semaphore_mem>>) src(%dma_wait3A_24 : memref<8192xf32, #tpu.memory_space<hbm>>) dst(%arg6 : memref<8192xf32, #tpu.memory_space<vmem>>)
      tpu.yield
    }) : () -> ()
    %run_scoped3A_4 = arith.constant 2 : i32
    "tpu.region"() ({
      %run_scoped3A_14 = tpu.sem_alloc : memref<!tpu.dma_semaphore, #tpu.memory_space<semaphore_mem>>
      %dma_start3A = arith.constant 0 : i32
      %dma_start3A_15 = tpu.memref_slice %arg2[%run_scoped3A_4, %dma_start3A] : memref<8x8192xf32, #tpu.memory_space<hbm>> -> memref<1x8192xf32, #tpu.memory_space<hbm>>
      %dma_start3A_16 = tpu.memref_squeeze %dma_start3A_15 : memref<1x8192xf32, #tpu.memory_space<hbm>> -> memref<8192xf32, #tpu.memory_space<hbm>>
      %dma_start3A_17 = arith.constant 0 : i32
      %dma_start3A_18 = tpu.memref_slice %arg2[%run_scoped3A_4, %dma_start3A_17] : memref<8x8192xf32, #tpu.memory_space<hbm>> -> memref<1x8192xf32, #tpu.memory_space<hbm>>
      %dma_start3A_19 = tpu.memref_squeeze %dma_start3A_18 : memref<1x8192xf32, #tpu.memory_space<hbm>> -> memref<8192xf32, #tpu.memory_space<hbm>>
      tpu.enqueue_dma source(%dma_start3A_19 : memref<8192xf32, #tpu.memory_space<hbm>>) target(%arg7 : memref<8192xf32, #tpu.memory_space<vmem>>) target_semaphore(%run_scoped3A_14 : memref<!tpu.dma_semaphore, #tpu.memory_space<semaphore_mem>>)
      %dma_wait3A = arith.constant 0 : i32
      %dma_wait3A_20 = tpu.memref_slice %arg2[%run_scoped3A_4, %dma_wait3A] : memref<8x8192xf32, #tpu.memory_space<hbm>> -> memref<1x8192xf32, #tpu.memory_space<hbm>>
      %dma_wait3A_21 = tpu.memref_squeeze %dma_wait3A_20 : memref<1x8192xf32, #tpu.memory_space<hbm>> -> memref<8192xf32, #tpu.memory_space<hbm>>
      %dma_wait3A_22 = arith.constant 0 : i32
      %dma_wait3A_23 = tpu.memref_slice %arg2[%run_scoped3A_4, %dma_wait3A_22] : memref<8x8192xf32, #tpu.memory_space<hbm>> -> memref<1x8192xf32, #tpu.memory_space<hbm>>
      %dma_wait3A_24 = tpu.memref_squeeze %dma_wait3A_23 : memref<1x8192xf32, #tpu.memory_space<hbm>> -> memref<8192xf32, #tpu.memory_space<hbm>>
      tpu.wait_dma2 semaphore(%run_scoped3A_14 : memref<!tpu.dma_semaphore, #tpu.memory_space<semaphore_mem>>) src(%dma_wait3A_24 : memref<8192xf32, #tpu.memory_space<hbm>>) dst(%arg7 : memref<8192xf32, #tpu.memory_space<vmem>>)
      tpu.yield
    }) : () -> ()
    "tpu.region"() ({
      %run_scoped3A_14 = tpu.sem_alloc : memref<!tpu.dma_semaphore, #tpu.memory_space<semaphore_mem>>
      %dma_start3A = tpu.memref_slice %arg3[%mul3A_2] : memref<131072xi32, #tpu.memory_space<hbm>> -> memref<4096xi32, #tpu.memory_space<hbm>>
      %dma_start3A_15 = tpu.memref_slice %arg3[%mul3A_2] : memref<131072xi32, #tpu.memory_space<hbm>> -> memref<4096xi32, #tpu.memory_space<hbm>>
      tpu.enqueue_dma source(%dma_start3A_15 : memref<4096xi32, #tpu.memory_space<hbm>>) target(%arg8 : memref<4096xi32, #tpu.memory_space<vmem>>) target_semaphore(%run_scoped3A_14 : memref<!tpu.dma_semaphore, #tpu.memory_space<semaphore_mem>>)
      %dma_wait3A = tpu.memref_slice %arg3[%mul3A_2] : memref<131072xi32, #tpu.memory_space<hbm>> -> memref<4096xi32, #tpu.memory_space<hbm>>
      %dma_wait3A_16 = tpu.memref_slice %arg3[%mul3A_2] : memref<131072xi32, #tpu.memory_space<hbm>> -> memref<4096xi32, #tpu.memory_space<hbm>>
      tpu.wait_dma2 semaphore(%run_scoped3A_14 : memref<!tpu.dma_semaphore, #tpu.memory_space<semaphore_mem>>) src(%dma_wait3A_16 : memref<4096xi32, #tpu.memory_space<hbm>>) dst(%arg8 : memref<4096xi32, #tpu.memory_space<vmem>>)
      tpu.yield
    }) : () -> ()
    %broadcast_in_dim3A = arith.constant 0.000000e+00 : f32
    %broadcast_in_dim3A_5 = vector.broadcast %broadcast_in_dim3A : f32 to vector<16xf32>
    %iota3A = tpu.iota {dimensions = array<i32: 0>} : vector<16xi32>
    %scan3A = arith.constant 0 : i32
    %scan3A_6 = arith.constant 0 : i32
    %scan3A_7 = arith.constant 256 : i32
    %scan3A_8 = arith.addi %scan3A_6, %scan3A_7 : i32
    %scan3A_9 = arith.constant 1 : i32
    %scan3A_10 = scf.for %scan3A_14 = %scan3A_6 to %scan3A_8 step %scan3A_9 iter_args(%scan3A_15 = %scan3A) -> (i32)  : i32 {
      %mul3A_16 = arith.constant 16 : i32
      %mul3A_17 = arith.muli %scan3A_14, %mul3A_16 : i32
      %multiple_of3A = tpu.assume_multiple %mul3A_17, 16 : i32
      %get3A = arith.index_cast %multiple_of3A : i32 to index
      %get3A_18 = tpu.vector_load %arg8[%get3A] {strides = array<i32>} : memref<4096xi32, #tpu.memory_space<vmem>>, vector<16xi32>,
      %add3A_19 = vector.broadcast %multiple_of3A : i32 to vector<16xi32>
      %add3A_20 = arith.addi %iota3A, %add3A_19 : vector<16xi32>
      %mul3A_21 = arith.constant 8 : i32
      %mul3A_22 = vector.broadcast %mul3A_21 : i32 to vector<16xi32>
      %mul3A_23 = arith.muli %add3A_20, %mul3A_22 : vector<16xi32>
      %gather3A = tpu.vector_load_idx %arg5[%get3A_18] : memref<8192xf32, #tpu.memory_space<vmem>>[vector<16xi32>], vector<16xf32>,
      %add3A_24 = arith.constant 0 : i32
      %add3A_25 = vector.broadcast %add3A_24 : i32 to vector<16xi32>
      %add3A_26 = arith.addi %mul3A_23, %add3A_25 : vector<16xi32>
      tpu.vector_store_idx %arg9[%add3A_26], %gather3A : memref<32768xf32, #tpu.memory_space<vmem>>[vector<16xi32>], vector<16xf32>,
      %gather3A_27 = tpu.vector_load_idx %arg6[%get3A_18] : memref<8192xf32, #tpu.memory_space<vmem>>[vector<16xi32>], vector<16xf32>,
      %add3A_28 = arith.constant 1 : i32
      %add3A_29 = vector.broadcast %add3A_28 : i32 to vector<16xi32>
      %add3A_30 = arith.addi %mul3A_23, %add3A_29 : vector<16xi32>
      tpu.vector_store_idx %arg9[%add3A_30], %gather3A_27 : memref<32768xf32, #tpu.memory_space<vmem>>[vector<16xi32>], vector<16xf32>,
      %gather3A_31 = tpu.vector_load_idx %arg7[%get3A_18] : memref<8192xf32, #tpu.memory_space<vmem>>[vector<16xi32>], vector<16xf32>,
      %add3A_32 = arith.constant 2 : i32
      %add3A_33 = vector.broadcast %add3A_32 : i32 to vector<16xi32>
      %add3A_34 = arith.addi %mul3A_23, %add3A_33 : vector<16xi32>
      tpu.vector_store_idx %arg9[%add3A_34], %gather3A_31 : memref<32768xf32, #tpu.memory_space<vmem>>[vector<16xi32>], vector<16xf32>,
      %add3A_35 = arith.constant 3 : i32
      %add3A_36 = vector.broadcast %add3A_35 : i32 to vector<16xi32>
      %add3A_37 = arith.addi %mul3A_23, %add3A_36 : vector<16xi32>
      tpu.vector_store_idx %arg9[%add3A_37], %broadcast_in_dim3A_5 : memref<32768xf32, #tpu.memory_space<vmem>>[vector<16xi32>], vector<16xf32>,
      %add3A_38 = arith.constant 4 : i32
      %add3A_39 = vector.broadcast %add3A_38 : i32 to vector<16xi32>
      %add3A_40 = arith.addi %mul3A_23, %add3A_39 : vector<16xi32>
      tpu.vector_store_idx %arg9[%add3A_40], %broadcast_in_dim3A_5 : memref<32768xf32, #tpu.memory_space<vmem>>[vector<16xi32>], vector<16xf32>,
      %add3A_41 = arith.constant 5 : i32
      %add3A_42 = vector.broadcast %add3A_41 : i32 to vector<16xi32>
      %add3A_43 = arith.addi %mul3A_23, %add3A_42 : vector<16xi32>
      tpu.vector_store_idx %arg9[%add3A_43], %broadcast_in_dim3A_5 : memref<32768xf32, #tpu.memory_space<vmem>>[vector<16xi32>], vector<16xf32>,
      %add3A_44 = arith.constant 6 : i32
      %add3A_45 = vector.broadcast %add3A_44 : i32 to vector<16xi32>
      %add3A_46 = arith.addi %mul3A_23, %add3A_45 : vector<16xi32>
      tpu.vector_store_idx %arg9[%add3A_46], %broadcast_in_dim3A_5 : memref<32768xf32, #tpu.memory_space<vmem>>[vector<16xi32>], vector<16xf32>,
      %add3A_47 = arith.constant 7 : i32
      %add3A_48 = vector.broadcast %add3A_47 : i32 to vector<16xi32>
      %add3A_49 = arith.addi %mul3A_23, %add3A_48 : vector<16xi32>
      tpu.vector_store_idx %arg9[%add3A_49], %broadcast_in_dim3A_5 : memref<32768xf32, #tpu.memory_space<vmem>>[vector<16xi32>], vector<16xf32>,
      %scan3A_50 = arith.constant 0 : i32
      scf.yield %scan3A_50 : i32
    }
    %scan3A_11 = arith.constant 256 : i32
    %mul3A_12 = arith.constant 8 : i32
    %mul3A_13 = arith.muli %mul3A_2, %mul3A_12 : i32
    "tpu.region"() ({
      %run_scoped3A_14 = tpu.sem_alloc : memref<!tpu.dma_semaphore, #tpu.memory_space<semaphore_mem>>
      %dma_start3A = tpu.memref_slice %arg4[%mul3A_13] : memref<1048576xf32, #tpu.memory_space<hbm>> -> memref<32768xf32, #tpu.memory_space<hbm>>
      %dma_start3A_15 = tpu.memref_slice %arg4[%mul3A_13] : memref<1048576xf32, #tpu.memory_space<hbm>> -> memref<32768xf32, #tpu.memory_space<hbm>>
      tpu.enqueue_dma source(%arg9 : memref<32768xf32, #tpu.memory_space<vmem>>) target(%dma_start3A_15 : memref<32768xf32, #tpu.memory_space<hbm>>) target_semaphore(%run_scoped3A_14 : memref<!tpu.dma_semaphore, #tpu.memory_space<semaphore_mem>>)
      %dma_wait3A = tpu.memref_slice %arg4[%mul3A_13] : memref<1048576xf32, #tpu.memory_space<hbm>> -> memref<32768xf32, #tpu.memory_space<hbm>>
      %dma_wait3A_16 = tpu.memref_slice %arg4[%mul3A_13] : memref<1048576xf32, #tpu.memory_space<hbm>> -> memref<32768xf32, #tpu.memory_space<hbm>>
      tpu.wait_dma2 semaphore(%run_scoped3A_14 : memref<!tpu.dma_semaphore, #tpu.memory_space<semaphore_mem>>) src(%arg9 : memref<32768xf32, #tpu.memory_space<vmem>>) dst(%dma_wait3A_16 : memref<32768xf32, #tpu.memory_space<hbm>>)
      tpu.yield
    }) : () -> ()
    return
  }
}

module attributes {stable_mosaic.version = 14 : i64} {
  func.func @_down_body(%arg0: memref<8192x8xf32, #tpu.memory_space<vmem>>, %arg1: memref<8192x4xf32, #tpu.memory_space<vmem>>) attributes {dimension_semantics = [], scalar_prefetch = 0 : i64, scratch_operands = 0 : i64, tpu.core_type = #tpu.core_type<tc>} {
    %get3A = arith.constant 0 : index
    %get3A_0 = arith.constant 0 : index
    %get3A_1 = vector.load %arg0[%get3A, %get3A_0] : memref<8192x8xf32, #tpu.memory_space<vmem>>, vector<8192x8xf32>
    %mul3A = arith.mulf %get3A_1, %get3A_1 : vector<8192x8xf32>
    %reduce_sum3A = arith.constant dense<0.000000e+00> : vector<8192xf32>
    %reduce_sum3A_2 = vector.multi_reduction <add>, %mul3A, %reduce_sum3A [1] : vector<8192x8xf32> to vector<8192xf32>
    %broadcast_in_dim3A = vector.shape_cast %reduce_sum3A_2 : vector<8192xf32> to vector<8192x1xf32>
    %sqrt3A = math.sqrt %broadcast_in_dim3A : vector<8192x1xf32>
    %iota3A = tpu.iota {dimensions = array<i32: 0>} : vector<8192x1xi32>
    %reduce_max3A = arith.constant dense<0xFF800000> : vector<1xf32>
    %reduce_max3A_3 = vector.multi_reduction <maximumf>, %sqrt3A, %reduce_max3A [0] : vector<8192x1xf32> to vector<1xf32>
    %broadcast_in_dim3A_4 = vector.shape_cast %reduce_max3A_3 : vector<1xf32> to vector<1x1xf32>
    %eq3A = vector.broadcast %broadcast_in_dim3A_4 : vector<1x1xf32> to vector<8192x1xf32>
    %eq3A_5 = arith.cmpf oeq, %sqrt3A, %eq3A : vector<8192x1xf32>
    %jit3A = arith.constant 1073741824 : i32
    %broadcast_in_dim3A_6 = vector.broadcast %jit3A : i32 to vector<8192x1xi32>
    %select_n3A = arith.select %eq3A_5, %iota3A, %broadcast_in_dim3A_6 : vector<8192x1xi1>, vector<8192x1xi32>
    %reduce_min3A = arith.constant dense<2147483647> : vector<1xi32>
    %reduce_min3A_7 = vector.multi_reduction <minsi>, %select_n3A, %reduce_min3A [0] : vector<8192x1xi32> to vector<1xi32>
    %broadcast_in_dim3A_8 = vector.shape_cast %reduce_min3A_7 : vector<1xi32> to vector<1x1xi32>
    %eq3A_9 = vector.broadcast %broadcast_in_dim3A_8 : vector<1x1xi32> to vector<8192x1xi32>
    %eq3A_10 = arith.cmpi eq, %iota3A, %eq3A_9 : vector<8192x1xi32>
    %convert_element_type3A = arith.extui %eq3A_10 : vector<8192x1xi1> to vector<8192x1xi32>
    %convert_element_type3A_11 = arith.sitofp %convert_element_type3A : vector<8192x1xi32> to vector<8192x1xf32>
    %mul3A_12 = vector.broadcast %convert_element_type3A_11 : vector<8192x1xf32> to vector<8192x8xf32>
    %mul3A_13 = arith.mulf %get3A_1, %mul3A_12 : vector<8192x8xf32>
    %reduce_sum3A_14 = arith.constant dense<0.000000e+00> : vector<8xf32>
    %reduce_sum3A_15 = vector.multi_reduction <add>, %mul3A_13, %reduce_sum3A_14 [0] : vector<8192x8xf32> to vector<8xf32>
    %broadcast_in_dim3A_16 = vector.shape_cast %reduce_sum3A_15 : vector<8xf32> to vector<1x8xf32>
    %mul3A_17 = arith.mulf %broadcast_in_dim3A_16, %broadcast_in_dim3A_16 : vector<1x8xf32>
    %reduce_sum3A_18 = arith.constant dense<0.000000e+00> : vector<1xf32>
    %reduce_sum3A_19 = vector.multi_reduction <add>, %mul3A_17, %reduce_sum3A_18 [1] : vector<1x8xf32> to vector<1xf32>
    %broadcast_in_dim3A_20 = vector.shape_cast %reduce_sum3A_19 : vector<1xf32> to vector<1x1xf32>
    %sqrt3A_21 = math.sqrt %broadcast_in_dim3A_20 : vector<1x1xf32>
    %add3A = arith.constant 1.000000e-07 : f32
    %add3A_22 = vector.broadcast %add3A : f32 to vector<1x1xf32>
    %add3A_23 = arith.addf %sqrt3A_21, %add3A_22 : vector<1x1xf32>
    %div3A = vector.broadcast %add3A_23 : vector<1x1xf32> to vector<1x8xf32>
    %div3A_24 = arith.divf %broadcast_in_dim3A_16, %div3A : vector<1x8xf32>
    %reduce_min3A_25 = arith.constant dense<0x7F800000> : vector<1xf32>
    %reduce_min3A_26 = vector.multi_reduction <minimumf>, %sqrt3A, %reduce_min3A_25 [0] : vector<8192x1xf32> to vector<1xf32>
    %broadcast_in_dim3A_27 = vector.shape_cast %reduce_min3A_26 : vector<1xf32> to vector<1x1xf32>
    %eq3A_28 = vector.broadcast %broadcast_in_dim3A_27 : vector<1x1xf32> to vector<8192x1xf32>
    %eq3A_29 = arith.cmpf oeq, %sqrt3A, %eq3A_28 : vector<8192x1xf32>
    %jit3A_30 = arith.constant 1073741824 : i32
    %broadcast_in_dim3A_31 = vector.broadcast %jit3A_30 : i32 to vector<8192x1xi32>
    %select_n3A_32 = arith.select %eq3A_29, %iota3A, %broadcast_in_dim3A_31 : vector<8192x1xi1>, vector<8192x1xi32>
    %reduce_min3A_33 = arith.constant dense<2147483647> : vector<1xi32>
    %reduce_min3A_34 = vector.multi_reduction <minsi>, %select_n3A_32, %reduce_min3A_33 [0] : vector<8192x1xi32> to vector<1xi32>
    %broadcast_in_dim3A_35 = vector.shape_cast %reduce_min3A_34 : vector<1xi32> to vector<1x1xi32>
    %eq3A_36 = vector.broadcast %broadcast_in_dim3A_35 : vector<1x1xi32> to vector<8192x1xi32>
    %eq3A_37 = arith.cmpi eq, %iota3A, %eq3A_36 : vector<8192x1xi32>
    %convert_element_type3A_38 = arith.extui %eq3A_37 : vector<8192x1xi1> to vector<8192x1xi32>
    %convert_element_type3A_39 = arith.sitofp %convert_element_type3A_38 : vector<8192x1xi32> to vector<8192x1xf32>
    %mul3A_40 = vector.broadcast %convert_element_type3A_39 : vector<8192x1xf32> to vector<8192x8xf32>
    %mul3A_41 = arith.mulf %get3A_1, %mul3A_40 : vector<8192x8xf32>
    %reduce_sum3A_42 = arith.constant dense<0.000000e+00> : vector<8xf32>
    %reduce_sum3A_43 = vector.multi_reduction <add>, %mul3A_41, %reduce_sum3A_42 [0] : vector<8192x8xf32> to vector<8xf32>
    %broadcast_in_dim3A_44 = vector.shape_cast %reduce_sum3A_43 : vector<8xf32> to vector<1x8xf32>
    %mul3A_45 = arith.mulf %broadcast_in_dim3A_44, %broadcast_in_dim3A_44 : vector<1x8xf32>
    %reduce_sum3A_46 = arith.constant dense<0.000000e+00> : vector<1xf32>
    %reduce_sum3A_47 = vector.multi_reduction <add>, %mul3A_45, %reduce_sum3A_46 [1] : vector<1x8xf32> to vector<1xf32>
    %broadcast_in_dim3A_48 = vector.shape_cast %reduce_sum3A_47 : vector<1xf32> to vector<1x1xf32>
    %sqrt3A_49 = math.sqrt %broadcast_in_dim3A_48 : vector<1x1xf32>
    %add3A_50 = arith.constant 1.000000e-07 : f32
    %add3A_51 = vector.broadcast %add3A_50 : f32 to vector<1x1xf32>
    %add3A_52 = arith.addf %sqrt3A_49, %add3A_51 : vector<1x1xf32>
    %div3A_53 = vector.broadcast %add3A_52 : vector<1x1xf32> to vector<1x8xf32>
    %div3A_54 = arith.divf %broadcast_in_dim3A_44, %div3A_53 : vector<1x8xf32>
    %mul3A_55 = arith.constant 1.500000e+00 : f32
    %mul3A_56 = vector.broadcast %mul3A_55 : f32 to vector<1x8xf32>
    %mul3A_57 = arith.mulf %mul3A_56, %div3A_54 : vector<1x8xf32>
    %add3A_58 = arith.addf %div3A_24, %mul3A_57 : vector<1x8xf32>
    %mul3A_59 = arith.mulf %add3A_58, %add3A_58 : vector<1x8xf32>
    %reduce_sum3A_60 = arith.constant dense<0.000000e+00> : vector<1xf32>
    %reduce_sum3A_61 = vector.multi_reduction <add>, %mul3A_59, %reduce_sum3A_60 [1] : vector<1x8xf32> to vector<1xf32>
    %broadcast_in_dim3A_62 = vector.shape_cast %reduce_sum3A_61 : vector<1xf32> to vector<1x1xf32>
    %sqrt3A_63 = math.sqrt %broadcast_in_dim3A_62 : vector<1x1xf32>
    %add3A_64 = arith.constant 1.000000e-07 : f32
    %add3A_65 = vector.broadcast %add3A_64 : f32 to vector<1x1xf32>
    %add3A_66 = arith.addf %sqrt3A_63, %add3A_65 : vector<1x1xf32>
    %div3A_67 = vector.broadcast %add3A_66 : vector<1x1xf32> to vector<1x8xf32>
    %div3A_68 = arith.divf %add3A_58, %div3A_67 : vector<1x8xf32>
    %add3A_69 = arith.constant 1.000000e-07 : f32
    %add3A_70 = vector.broadcast %add3A_69 : f32 to vector<8192x1xf32>
    %add3A_71 = arith.addf %sqrt3A, %add3A_70 : vector<8192x1xf32>
    %mul3A_72 = vector.broadcast %div3A_24 : vector<1x8xf32> to vector<8192x8xf32>
    %mul3A_73 = arith.mulf %get3A_1, %mul3A_72 : vector<8192x8xf32>
    %reduce_sum3A_74 = arith.constant dense<0.000000e+00> : vector<8192xf32>
    %reduce_sum3A_75 = vector.multi_reduction <add>, %mul3A_73, %reduce_sum3A_74 [1] : vector<8192x8xf32> to vector<8192xf32>
    %broadcast_in_dim3A_76 = vector.shape_cast %reduce_sum3A_75 : vector<8192xf32> to vector<8192x1xf32>
    %div3A_77 = arith.divf %broadcast_in_dim3A_76, %add3A_71 : vector<8192x1xf32>
    %mul3A_78 = vector.broadcast %div3A_54 : vector<1x8xf32> to vector<8192x8xf32>
    %mul3A_79 = arith.mulf %get3A_1, %mul3A_78 : vector<8192x8xf32>
    %reduce_sum3A_80 = arith.constant dense<0.000000e+00> : vector<8192xf32>
    %reduce_sum3A_81 = vector.multi_reduction <add>, %mul3A_79, %reduce_sum3A_80 [1] : vector<8192x8xf32> to vector<8192xf32>
    %broadcast_in_dim3A_82 = vector.shape_cast %reduce_sum3A_81 : vector<8192xf32> to vector<8192x1xf32>
    %div3A_83 = arith.divf %broadcast_in_dim3A_82, %add3A_71 : vector<8192x1xf32>
    %mul3A_84 = vector.broadcast %div3A_68 : vector<1x8xf32> to vector<8192x8xf32>
    %mul3A_85 = arith.mulf %get3A_1, %mul3A_84 : vector<8192x8xf32>
    %reduce_sum3A_86 = arith.constant dense<0.000000e+00> : vector<8192xf32>
    %reduce_sum3A_87 = vector.multi_reduction <add>, %mul3A_85, %reduce_sum3A_86 [1] : vector<8192x8xf32> to vector<8192xf32>
    %broadcast_in_dim3A_88 = vector.shape_cast %reduce_sum3A_87 : vector<8192xf32> to vector<8192x1xf32>
    %div3A_89 = arith.divf %broadcast_in_dim3A_88, %add3A_71 : vector<8192x1xf32>
    %concatenate3A = tpu.concatenate %div3A_77, %div3A_83, %div3A_89, %sqrt3A in 1 : vector<8192x1xf32>, vector<8192x1xf32>, vector<8192x1xf32>, vector<8192x1xf32> -> vector<8192x4xf32>
    %swap3A = arith.constant 0 : index
    %swap3A_90 = arith.constant 0 : index
    %swap3A_91 = vector.load %arg1[%swap3A, %swap3A_90] : memref<8192x4xf32, #tpu.memory_space<vmem>>, vector<8192x4xf32>
    tpu.vector_store %arg1[%swap3A, %swap3A_90], %concatenate3A {strides = array<i32>} : memref<8192x4xf32, #tpu.memory_space<vmem>>, vector<8192x4xf32>,
    return
  }
}

module attributes {stable_mosaic.version = 14 : i64} {
  func.func @_topk_body(%arg0: i32, %arg1: memref<256x8xf32, #tpu.memory_space<vmem>>, %arg2: memref<8x8192xf32, #tpu.memory_space<vmem>>, %arg3: memref<256x16xi32, #tpu.memory_space<vmem>>) attributes {dimension_semantics = [#tpu.dimension_semantics<arbitrary>], iteration_bounds = array<i64: 32>, scalar_prefetch = 0 : i64, scratch_operands = 0 : i64, tpu.core_type = #tpu.core_type<tc>, window_params = [{transform_indices = @transform_0, window_bounds = array<i64: 256, 8>}, {pipeline_mode = #tpu.pipeline_mode<synchronous>, transform_indices = @transform_1, window_bounds = array<i64: 8, 8192>}, {transform_indices = @transform_2, window_bounds = array<i64: 256, 16>}]} {
    %get3A = arith.constant 0 : index
    %get3A_0 = arith.constant 0 : index
    %get3A_1 = vector.load %arg1[%get3A, %get3A_0] : memref<256x8xf32, #tpu.memory_space<vmem>>, vector<256x8xf32>
    %get3A_2 = arith.constant 0 : index
    %get3A_3 = arith.constant 0 : index
    %get3A_4 = vector.load %arg2[%get3A_2, %get3A_3] : memref<8x8192xf32, #tpu.memory_space<vmem>>, vector<8x8192xf32>
    %dot_general3A = arith.constant dense<0.000000e+00> : vector<256x8192xf32>
    %dot_general3A_5 = tpu.matmul %get3A_1, %get3A_4, %dot_general3A {dimension_numbers = #tpu.dot_dimension_numbers<[1], [0], [0], [1], [0, 0, 1, 1], [], []>, transpose_lhs_hint = false} : vector<256x8xf32>, vector<8x8192xf32>, vector<256x8192xf32> -> vector<256x8192xf32>
    %mul3A = arith.mulf %get3A_1, %get3A_1 : vector<256x8xf32>
    %reduce_sum3A = arith.constant dense<0.000000e+00> : vector<256xf32>
    %reduce_sum3A_6 = vector.multi_reduction <add>, %mul3A, %reduce_sum3A [1] : vector<256x8xf32> to vector<256xf32>
    %broadcast_in_dim3A = vector.shape_cast %reduce_sum3A_6 : vector<256xf32> to vector<256x1xf32>
    %mul3A_7 = arith.mulf %get3A_4, %get3A_4 : vector<8x8192xf32>
    %reduce_sum3A_8 = arith.constant dense<0.000000e+00> : vector<8192xf32>
    %reduce_sum3A_9 = vector.multi_reduction <add>, %mul3A_7, %reduce_sum3A_8 [0] : vector<8x8192xf32> to vector<8192xf32>
    %broadcast_in_dim3A_10 = vector.shape_cast %reduce_sum3A_9 : vector<8192xf32> to vector<1x8192xf32>
    %mul3A_11 = arith.constant 2.000000e+00 : f32
    %mul3A_12 = vector.broadcast %mul3A_11 : f32 to vector<256x8192xf32>
    %mul3A_13 = arith.mulf %mul3A_12, %dot_general3A_5 : vector<256x8192xf32>
    %sub3A = vector.broadcast %broadcast_in_dim3A : vector<256x1xf32> to vector<256x8192xf32>
    %sub3A_14 = arith.subf %sub3A, %mul3A_13 : vector<256x8192xf32>
    %add3A = vector.broadcast %broadcast_in_dim3A_10 : vector<1x8192xf32> to vector<256x8192xf32>
    %add3A_15 = arith.addf %sub3A_14, %add3A : vector<256x8192xf32>
    %bitcast_convert_type3A = tpu.bitcast %add3A_15 : vector<256x8192xf32> -> vector<256x8192xi32>
    %lt3A = arith.constant 0 : i32
    %lt3A_16 = vector.broadcast %lt3A : i32 to vector<256x8192xi32>
    %lt3A_17 = arith.cmpi slt, %bitcast_convert_type3A, %lt3A_16 : vector<256x8192xi32>
    %xor3A = arith.constant 2147483647 : i32
    %xor3A_18 = vector.broadcast %xor3A : i32 to vector<256x8192xi32>
    %xor3A_19 = arith.xori %bitcast_convert_type3A, %xor3A_18 : vector<256x8192xi32>
    %select_n3A = arith.select %lt3A_17, %xor3A_19, %bitcast_convert_type3A : vector<256x8192xi1>, vector<256x8192xi32>
    %iota3A = tpu.iota {dimensions = array<i32: 1>} : vector<256x8192xi32>
    %add3A_20 = arith.constant 4096 : i32
    %add3A_21 = vector.broadcast %add3A_20 : i32 to vector<256x8192xi32>
    %add3A_22 = arith.addi %select_n3A, %add3A_21 : vector<256x8192xi32>
    %and3A = arith.constant -8192 : i32
    %and3A_23 = vector.broadcast %and3A : i32 to vector<256x8192xi32>
    %and3A_24 = arith.andi %add3A_22, %and3A_23 : vector<256x8192xi32>
    %or3A = arith.ori %and3A_24, %iota3A : vector<256x8192xi32>
    %reduce_min3A = arith.constant dense<2147483647> : vector<256xi32>
    %reduce_min3A_25 = vector.multi_reduction <minsi>, %or3A, %reduce_min3A [1] : vector<256x8192xi32> to vector<256xi32>
    %broadcast_in_dim3A_26 = vector.shape_cast %reduce_min3A_25 : vector<256xi32> to vector<256x1xi32>
    %gt3A = vector.broadcast %broadcast_in_dim3A_26 : vector<256x1xi32> to vector<256x8192xi32>
    %gt3A_27 = arith.cmpi sgt, %or3A, %gt3A : vector<256x8192xi32>
    %jit3A = arith.constant 2147483647 : i32
    %broadcast_in_dim3A_28 = vector.broadcast %jit3A : i32 to vector<256x8192xi32>
    %select_n3A_29 = arith.select %gt3A_27, %or3A, %broadcast_in_dim3A_28 : vector<256x8192xi1>, vector<256x8192xi32>
    %reduce_min3A_30 = arith.constant dense<2147483647> : vector<256xi32>
    %reduce_min3A_31 = vector.multi_reduction <minsi>, %select_n3A_29, %reduce_min3A_30 [1] : vector<256x8192xi32> to vector<256xi32>
    %broadcast_in_dim3A_32 = vector.shape_cast %reduce_min3A_31 : vector<256xi32> to vector<256x1xi32>
    %gt3A_33 = vector.broadcast %broadcast_in_dim3A_32 : vector<256x1xi32> to vector<256x8192xi32>
    %gt3A_34 = arith.cmpi sgt, %or3A, %gt3A_33 : vector<256x8192xi32>
    %jit3A_35 = arith.constant 2147483647 : i32
    %broadcast_in_dim3A_36 = vector.broadcast %jit3A_35 : i32 to vector<256x8192xi32>
    %select_n3A_37 = arith.select %gt3A_34, %or3A, %broadcast_in_dim3A_36 : vector<256x8192xi1>, vector<256x8192xi32>
    %reduce_min3A_38 = arith.constant dense<2147483647> : vector<256xi32>
    %reduce_min3A_39 = vector.multi_reduction <minsi>, %select_n3A_37, %reduce_min3A_38 [1] : vector<256x8192xi32> to vector<256xi32>
    %broadcast_in_dim3A_40 = vector.shape_cast %reduce_min3A_39 : vector<256xi32> to vector<256x1xi32>
    %gt3A_41 = vector.broadcast %broadcast_in_dim3A_40 : vector<256x1xi32> to vector<256x8192xi32>
    %gt3A_42 = arith.cmpi sgt, %or3A, %gt3A_41 : vector<256x8192xi32>
    %jit3A_43 = arith.constant 2147483647 : i32
    %broadcast_in_dim3A_44 = vector.broadcast %jit3A_43 : i32 to vector<256x8192xi32>
    %select_n3A_45 = arith.select %gt3A_42, %or3A, %broadcast_in_dim3A_44 : vector<256x8192xi1>, vector<256x8192xi32>
    %reduce_min3A_46 = arith.constant dense<2147483647> : vector<256xi32>
    %reduce_min3A_47 = vector.multi_reduction <minsi>, %select_n3A_45, %reduce_min3A_46 [1] : vector<256x8192xi32> to vector<256xi32>
    %broadcast_in_dim3A_48 = vector.shape_cast %reduce_min3A_47 : vector<256xi32> to vector<256x1xi32>
    %gt3A_49 = vector.broadcast %broadcast_in_dim3A_48 : vector<256x1xi32> to vector<256x8192xi32>
    %gt3A_50 = arith.cmpi sgt, %or3A, %gt3A_49 : vector<256x8192xi32>
    %jit3A_51 = arith.constant 2147483647 : i32
    %broadcast_in_dim3A_52 = vector.broadcast %jit3A_51 : i32 to vector<256x8192xi32>
    %select_n3A_53 = arith.select %gt3A_50, %or3A, %broadcast_in_dim3A_52 : vector<256x8192xi1>, vector<256x8192xi32>
    %reduce_min3A_54 = arith.constant dense<2147483647> : vector<256xi32>
    %reduce_min3A_55 = vector.multi_reduction <minsi>, %select_n3A_53, %reduce_min3A_54 [1] : vector<256x8192xi32> to vector<256xi32>
    %broadcast_in_dim3A_56 = vector.shape_cast %reduce_min3A_55 : vector<256xi32> to vector<256x1xi32>
    %gt3A_57 = vector.broadcast %broadcast_in_dim3A_56 : vector<256x1xi32> to vector<256x8192xi32>
    %gt3A_58 = arith.cmpi sgt, %or3A, %gt3A_57 : vector<256x8192xi32>
    %jit3A_59 = arith.constant 2147483647 : i32
    %broadcast_in_dim3A_60 = vector.broadcast %jit3A_59 : i32 to vector<256x8192xi32>
    %select_n3A_61 = arith.select %gt3A_58, %or3A, %broadcast_in_dim3A_60 : vector<256x8192xi1>, vector<256x8192xi32>
    %reduce_min3A_62 = arith.constant dense<2147483647> : vector<256xi32>
    %reduce_min3A_63 = vector.multi_reduction <minsi>, %select_n3A_61, %reduce_min3A_62 [1] : vector<256x8192xi32> to vector<256xi32>
    %broadcast_in_dim3A_64 = vector.shape_cast %reduce_min3A_63 : vector<256xi32> to vector<256x1xi32>
    %gt3A_65 = vector.broadcast %broadcast_in_dim3A_64 : vector<256x1xi32> to vector<256x8192xi32>
    %gt3A_66 = arith.cmpi sgt, %or3A, %gt3A_65 : vector<256x8192xi32>
    %jit3A_67 = arith.constant 2147483647 : i32
    %broadcast_in_dim3A_68 = vector.broadcast %jit3A_67 : i32 to vector<256x8192xi32>
    %select_n3A_69 = arith.select %gt3A_66, %or3A, %broadcast_in_dim3A_68 : vector<256x8192xi1>, vector<256x8192xi32>
    %reduce_min3A_70 = arith.constant dense<2147483647> : vector<256xi32>
    %reduce_min3A_71 = vector.multi_reduction <minsi>, %select_n3A_69, %reduce_min3A_70 [1] : vector<256x8192xi32> to vector<256xi32>
    %broadcast_in_dim3A_72 = vector.shape_cast %reduce_min3A_71 : vector<256xi32> to vector<256x1xi32>
    %gt3A_73 = vector.broadcast %broadcast_in_dim3A_72 : vector<256x1xi32> to vector<256x8192xi32>
    %gt3A_74 = arith.cmpi sgt, %or3A, %gt3A_73 : vector<256x8192xi32>
    %jit3A_75 = arith.constant 2147483647 : i32
    %broadcast_in_dim3A_76 = vector.broadcast %jit3A_75 : i32 to vector<256x8192xi32>
    %select_n3A_77 = arith.select %gt3A_74, %or3A, %broadcast_in_dim3A_76 : vector<256x8192xi1>, vector<256x8192xi32>
    %reduce_min3A_78 = arith.constant dense<2147483647> : vector<256xi32>
    %reduce_min3A_79 = vector.multi_reduction <minsi>, %select_n3A_77, %reduce_min3A_78 [1] : vector<256x8192xi32> to vector<256xi32>
    %broadcast_in_dim3A_80 = vector.shape_cast %reduce_min3A_79 : vector<256xi32> to vector<256x1xi32>
    %gt3A_81 = vector.broadcast %broadcast_in_dim3A_80 : vector<256x1xi32> to vector<256x8192xi32>
    %gt3A_82 = arith.cmpi sgt, %or3A, %gt3A_81 : vector<256x8192xi32>
    %jit3A_83 = arith.constant 2147483647 : i32
    %broadcast_in_dim3A_84 = vector.broadcast %jit3A_83 : i32 to vector<256x8192xi32>
    %select_n3A_85 = arith.select %gt3A_82, %or3A, %broadcast_in_dim3A_84 : vector<256x8192xi1>, vector<256x8192xi32>
    %reduce_min3A_86 = arith.constant dense<2147483647> : vector<256xi32>
    %reduce_min3A_87 = vector.multi_reduction <minsi>, %select_n3A_85, %reduce_min3A_86 [1] : vector<256x8192xi32> to vector<256xi32>
    %broadcast_in_dim3A_88 = vector.shape_cast %reduce_min3A_87 : vector<256xi32> to vector<256x1xi32>
    %gt3A_89 = vector.broadcast %broadcast_in_dim3A_88 : vector<256x1xi32> to vector<256x8192xi32>
    %gt3A_90 = arith.cmpi sgt, %or3A, %gt3A_89 : vector<256x8192xi32>
    %jit3A_91 = arith.constant 2147483647 : i32
    %broadcast_in_dim3A_92 = vector.broadcast %jit3A_91 : i32 to vector<256x8192xi32>
    %select_n3A_93 = arith.select %gt3A_90, %or3A, %broadcast_in_dim3A_92 : vector<256x8192xi1>, vector<256x8192xi32>
    %reduce_min3A_94 = arith.constant dense<2147483647> : vector<256xi32>
    %reduce_min3A_95 = vector.multi_reduction <minsi>, %select_n3A_93, %reduce_min3A_94 [1] : vector<256x8192xi32> to vector<256xi32>
    %broadcast_in_dim3A_96 = vector.shape_cast %reduce_min3A_95 : vector<256xi32> to vector<256x1xi32>
    %gt3A_97 = vector.broadcast %broadcast_in_dim3A_96 : vector<256x1xi32> to vector<256x8192xi32>
    %gt3A_98 = arith.cmpi sgt, %or3A, %gt3A_97 : vector<256x8192xi32>
    %jit3A_99 = arith.constant 2147483647 : i32
    %broadcast_in_dim3A_100 = vector.broadcast %jit3A_99 : i32 to vector<256x8192xi32>
    %select_n3A_101 = arith.select %gt3A_98, %or3A, %broadcast_in_dim3A_100 : vector<256x8192xi1>, vector<256x8192xi32>
    %reduce_min3A_102 = arith.constant dense<2147483647> : vector<256xi32>
    %reduce_min3A_103 = vector.multi_reduction <minsi>, %select_n3A_101, %reduce_min3A_102 [1] : vector<256x8192xi32> to vector<256xi32>
    %broadcast_in_dim3A_104 = vector.shape_cast %reduce_min3A_103 : vector<256xi32> to vector<256x1xi32>
    %gt3A_105 = vector.broadcast %broadcast_in_dim3A_104 : vector<256x1xi32> to vector<256x8192xi32>
    %gt3A_106 = arith.cmpi sgt, %or3A, %gt3A_105 : vector<256x8192xi32>
    %jit3A_107 = arith.constant 2147483647 : i32
    %broadcast_in_dim3A_108 = vector.broadcast %jit3A_107 : i32 to vector<256x8192xi32>
    %select_n3A_109 = arith.select %gt3A_106, %or3A, %broadcast_in_dim3A_108 : vector<256x8192xi1>, vector<256x8192xi32>
    %reduce_min3A_110 = arith.constant dense<2147483647> : vector<256xi32>
    %reduce_min3A_111 = vector.multi_reduction <minsi>, %select_n3A_109, %reduce_min3A_110 [1] : vector<256x8192xi32> to vector<256xi32>
    %broadcast_in_dim3A_112 = vector.shape_cast %reduce_min3A_111 : vector<256xi32> to vector<256x1xi32>
    %gt3A_113 = vector.broadcast %broadcast_in_dim3A_112 : vector<256x1xi32> to vector<256x8192xi32>
    %gt3A_114 = arith.cmpi sgt, %or3A, %gt3A_113 : vector<256x8192xi32>
    %jit3A_115 = arith.constant 2147483647 : i32
    %broadcast_in_dim3A_116 = vector.broadcast %jit3A_115 : i32 to vector<256x8192xi32>
    %select_n3A_117 = arith.select %gt3A_114, %or3A, %broadcast_in_dim3A_116 : vector<256x8192xi1>, vector<256x8192xi32>
    %reduce_min3A_118 = arith.constant dense<2147483647> : vector<256xi32>
    %reduce_min3A_119 = vector.multi_reduction <minsi>, %select_n3A_117, %reduce_min3A_118 [1] : vector<256x8192xi32> to vector<256xi32>
    %broadcast_in_dim3A_120 = vector.shape_cast %reduce_min3A_119 : vector<256xi32> to vector<256x1xi32>
    %gt3A_121 = vector.broadcast %broadcast_in_dim3A_120 : vector<256x1xi32> to vector<256x8192xi32>
    %gt3A_122 = arith.cmpi sgt, %or3A, %gt3A_121 : vector<256x8192xi32>
    %jit3A_123 = arith.constant 2147483647 : i32
    %broadcast_in_dim3A_124 = vector.broadcast %jit3A_123 : i32 to vector<256x8192xi32>
    %select_n3A_125 = arith.select %gt3A_122, %or3A, %broadcast_in_dim3A_124 : vector<256x8192xi1>, vector<256x8192xi32>
    %reduce_min3A_126 = arith.constant dense<2147483647> : vector<256xi32>
    %reduce_min3A_127 = vector.multi_reduction <minsi>, %select_n3A_125, %reduce_min3A_126 [1] : vector<256x8192xi32> to vector<256xi32>
    %broadcast_in_dim3A_128 = vector.shape_cast %reduce_min3A_127 : vector<256xi32> to vector<256x1xi32>
    %gt3A_129 = vector.broadcast %broadcast_in_dim3A_128 : vector<256x1xi32> to vector<256x8192xi32>
    %gt3A_130 = arith.cmpi sgt, %or3A, %gt3A_129 : vector<256x8192xi32>
    %jit3A_131 = arith.constant 2147483647 : i32
    %broadcast_in_dim3A_132 = vector.broadcast %jit3A_131 : i32 to vector<256x8192xi32>
    %select_n3A_133 = arith.select %gt3A_130, %or3A, %broadcast_in_dim3A_132 : vector<256x8192xi1>, vector<256x8192xi32>
    %reduce_min3A_134 = arith.constant dense<2147483647> : vector<256xi32>
    %reduce_min3A_135 = vector.multi_reduction <minsi>, %select_n3A_133, %reduce_min3A_134 [1] : vector<256x8192xi32> to vector<256xi32>
    %broadcast_in_dim3A_136 = vector.shape_cast %reduce_min3A_135 : vector<256xi32> to vector<256x1xi32>
    %gt3A_137 = vector.broadcast %broadcast_in_dim3A_136 : vector<256x1xi32> to vector<256x8192xi32>
    %gt3A_138 = arith.cmpi sgt, %or3A, %gt3A_137 : vector<256x8192xi32>
    %jit3A_139 = arith.constant 2147483647 : i32
    %broadcast_in_dim3A_140 = vector.broadcast %jit3A_139 : i32 to vector<256x8192xi32>
    %select_n3A_141 = arith.select %gt3A_138, %or3A, %broadcast_in_dim3A_140 : vector<256x8192xi1>, vector<256x8192xi32>
    %reduce_min3A_142 = arith.constant dense<2147483647> : vector<256xi32>
    %reduce_min3A_143 = vector.multi_reduction <minsi>, %select_n3A_141, %reduce_min3A_142 [1] : vector<256x8192xi32> to vector<256xi32>
    %broadcast_in_dim3A_144 = vector.shape_cast %reduce_min3A_143 : vector<256xi32> to vector<256x1xi32>
    %concatenate3A = tpu.concatenate %broadcast_in_dim3A_26, %broadcast_in_dim3A_32, %broadcast_in_dim3A_40, %broadcast_in_dim3A_48, %broadcast_in_dim3A_56, %broadcast_in_dim3A_64, %broadcast_in_dim3A_72, %broadcast_in_dim3A_80, %broadcast_in_dim3A_88, %broadcast_in_dim3A_96, %broadcast_in_dim3A_104, %broadcast_in_dim3A_112, %broadcast_in_dim3A_120, %broadcast_in_dim3A_128, %broadcast_in_dim3A_136, %broadcast_in_dim3A_144 in 1 : vector<256x1xi32>, vector<256x1xi32>, vector<256x1xi32>, vector<256x1xi32>, vector<256x1xi32>, vector<256x1xi32>, vector<256x1xi32>, vector<256x1xi32>, vector<256x1xi32>, vector<256x1xi32>, vector<256x1xi32>, vector<256x1xi32>, vector<256x1xi32>, vector<256x1xi32>, vector<256x1xi32>, vector<256x1xi32> -> vector<256x16xi32>
    %and3A_145 = arith.constant 8191 : i32
    %and3A_146 = vector.broadcast %and3A_145 : i32 to vector<256x16xi32>
    %and3A_147 = arith.andi %concatenate3A, %and3A_146 : vector<256x16xi32>
    %swap3A = arith.constant 0 : index
    %swap3A_148 = arith.constant 0 : index
    %swap3A_149 = vector.load %arg3[%swap3A, %swap3A_148] : memref<256x16xi32, #tpu.memory_space<vmem>>, vector<256x16xi32>
    tpu.vector_store %arg3[%swap3A, %swap3A_148], %and3A_147 {strides = array<i32>} : memref<256x16xi32, #tpu.memory_space<vmem>>, vector<256x16xi32>,
    return
  }
  func.func @transform_0(%arg0: i32) -> (i32, i32) {
    %c0_i32 = arith.constant 0 : i32
    %c0_i32_0 = arith.constant 0 : i32
    return %arg0, %c0_i32 : i32, i32
  }
  func.func @transform_1(%arg0: i32) -> (i32, i32) {
    %c0_i32 = arith.constant 0 : i32
    %c0_i32_0 = arith.constant 0 : i32
    %c0_i32_1 = arith.constant 0 : i32
    return %c0_i32, %c0_i32_0 : i32, i32
  }
  func.func @transform_2(%arg0: i32) -> (i32, i32) {
    %c0_i32 = arith.constant 0 : i32
    %c0_i32_0 = arith.constant 0 : i32
    return %arg0, %c0_i32 : i32, i32
  }
}

module attributes {stable_mosaic.version = 14 : i64} {
  func.func @_feat_body(%arg0: i32, %arg1: memref<2048x8xf32, #tpu.memory_space<vmem>>, %arg2: memref<8x64xf32, #tpu.memory_space<vmem>>, %arg3: memref<64x64xf32, #tpu.memory_space<vmem>>, %arg4: memref<64x64xf32, #tpu.memory_space<vmem>>, %arg5: memref<64x64xf32, #tpu.memory_space<vmem>>, %arg6: memref<64x64xf32, #tpu.memory_space<vmem>>, %arg7: memref<128x64xf32, #tpu.memory_space<vmem>>) attributes {dimension_semantics = [#tpu.dimension_semantics<arbitrary>], iteration_bounds = array<i64: 64>, scalar_prefetch = 0 : i64, scratch_operands = 0 : i64, tpu.core_type = #tpu.core_type<tc>, window_params = [{transform_indices = @transform_0, window_bounds = array<i64: 2048, 8>}, {pipeline_mode = #tpu.pipeline_mode<synchronous>, transform_indices = @transform_1, window_bounds = array<i64: 8, 64>}, {pipeline_mode = #tpu.pipeline_mode<synchronous>, transform_indices = @transform_2, window_bounds = array<i64: 64, 64>}, {pipeline_mode = #tpu.pipeline_mode<synchronous>, transform_indices = @transform_3, window_bounds = array<i64: 64, 64>}, {pipeline_mode = #tpu.pipeline_mode<synchronous>, transform_indices = @transform_4, window_bounds = array<i64: 64, 64>}, {pipeline_mode = #tpu.pipeline_mode<synchronous>, transform_indices = @transform_5, window_bounds = array<i64: 64, 64>}, {transform_indices = @transform_6, window_bounds = array<i64: 128, 64>}]} {
    %get3A = arith.constant 0 : index
    %get3A_0 = arith.constant 0 : index
    %get3A_1 = vector.load %arg1[%get3A, %get3A_0] : memref<2048x8xf32, #tpu.memory_space<vmem>>, vector<2048x8xf32>
    %reshape3A = vector.shape_cast %get3A_1 : vector<2048x8xf32> to vector<128x16x8xf32>
    %slice3A = vector.extract_strided_slice %reshape3A {offsets = [0, 0, 0], sizes = [128, 1, 8], strides = [1, 1, 1]} : vector<128x16x8xf32> to vector<128x1x8xf32>
    %sub3A = vector.broadcast %slice3A : vector<128x1x8xf32> to vector<128x16x8xf32>
    %sub3A_2 = arith.subf %reshape3A, %sub3A : vector<128x16x8xf32>
    %mul3A = arith.mulf %sub3A_2, %sub3A_2 : vector<128x16x8xf32>
    %reduce_sum3A = arith.constant dense<0.000000e+00> : vector<128x16xf32>
    %reduce_sum3A_3 = vector.multi_reduction <add>, %mul3A, %reduce_sum3A [2] : vector<128x16x8xf32> to vector<128x16xf32>
    %broadcast_in_dim3A = vector.shape_cast %reduce_sum3A_3 : vector<128x16xf32> to vector<128x16x1xf32>
    %sqrt3A = math.sqrt %broadcast_in_dim3A : vector<128x16x1xf32>
    %reduce_max3A = arith.constant dense<0xFF800000> : vector<128x1xf32>
    %reduce_max3A_4 = vector.multi_reduction <maximumf>, %sqrt3A, %reduce_max3A [1] : vector<128x16x1xf32> to vector<128x1xf32>
    %broadcast_in_dim3A_5 = vector.shape_cast %reduce_max3A_4 : vector<128x1xf32> to vector<128x1x1xf32>
    %iota3A = tpu.iota {dimensions = array<i32: 1>} : vector<128x16x1xi32>
    %eq3A = vector.broadcast %broadcast_in_dim3A_5 : vector<128x1x1xf32> to vector<128x16x1xf32>
    %eq3A_6 = arith.cmpf oeq, %sqrt3A, %eq3A : vector<128x16x1xf32>
    %jit3A = arith.constant 99 : i32
    %broadcast_in_dim3A_7 = vector.broadcast %jit3A : i32 to vector<128x16x1xi32>
    %select_n3A = arith.select %eq3A_6, %iota3A, %broadcast_in_dim3A_7 : vector<128x16x1xi1>, vector<128x16x1xi32>
    %reduce_min3A = arith.constant dense<2147483647> : vector<128x1xi32>
    %reduce_min3A_8 = vector.multi_reduction <minsi>, %select_n3A, %reduce_min3A [1] : vector<128x16x1xi32> to vector<128x1xi32>
    %broadcast_in_dim3A_9 = vector.shape_cast %reduce_min3A_8 : vector<128x1xi32> to vector<128x1x1xi32>
    %eq3A_10 = vector.broadcast %broadcast_in_dim3A_9 : vector<128x1x1xi32> to vector<128x16x1xi32>
    %eq3A_11 = arith.cmpi eq, %iota3A, %eq3A_10 : vector<128x16x1xi32>
    %convert_element_type3A = arith.extui %eq3A_11 : vector<128x16x1xi1> to vector<128x16x1xi32>
    %convert_element_type3A_12 = arith.sitofp %convert_element_type3A : vector<128x16x1xi32> to vector<128x16x1xf32>
    %mul3A_13 = vector.broadcast %convert_element_type3A_12 : vector<128x16x1xf32> to vector<128x16x8xf32>
    %mul3A_14 = arith.mulf %sub3A_2, %mul3A_13 : vector<128x16x8xf32>
    %reduce_sum3A_15 = arith.constant dense<0.000000e+00> : vector<128x8xf32>
    %reduce_sum3A_16 = vector.multi_reduction <add>, %mul3A_14, %reduce_sum3A_15 [1] : vector<128x16x8xf32> to vector<128x8xf32>
    %broadcast_in_dim3A_17 = vector.shape_cast %reduce_sum3A_16 : vector<128x8xf32> to vector<128x1x8xf32>
    %mul3A_18 = arith.mulf %broadcast_in_dim3A_17, %broadcast_in_dim3A_17 : vector<128x1x8xf32>
    %reduce_sum3A_19 = arith.constant dense<0.000000e+00> : vector<128x1xf32>
    %reduce_sum3A_20 = vector.multi_reduction <add>, %mul3A_18, %reduce_sum3A_19 [2] : vector<128x1x8xf32> to vector<128x1xf32>
    %broadcast_in_dim3A_21 = vector.shape_cast %reduce_sum3A_20 : vector<128x1xf32> to vector<128x1x1xf32>
    %sqrt3A_22 = math.sqrt %broadcast_in_dim3A_21 : vector<128x1x1xf32>
    %add3A = arith.constant 1.000000e-07 : f32
    %add3A_23 = vector.broadcast %add3A : f32 to vector<128x1x1xf32>
    %add3A_24 = arith.addf %sqrt3A_22, %add3A_23 : vector<128x1x1xf32>
    %div3A = vector.broadcast %add3A_24 : vector<128x1x1xf32> to vector<128x1x8xf32>
    %div3A_25 = arith.divf %broadcast_in_dim3A_17, %div3A : vector<128x1x8xf32>
    %reduce_sum3A_26 = arith.constant dense<0.000000e+00> : vector<128x8xf32>
    %reduce_sum3A_27 = vector.multi_reduction <add>, %sub3A_2, %reduce_sum3A_26 [1] : vector<128x16x8xf32> to vector<128x8xf32>
    %broadcast_in_dim3A_28 = vector.shape_cast %reduce_sum3A_27 : vector<128x8xf32> to vector<128x1x8xf32>
    %div3A_29 = arith.constant 1.600000e+01 : f32
    %div3A_30 = vector.broadcast %div3A_29 : f32 to vector<128x1x8xf32>
    %div3A_31 = arith.divf %broadcast_in_dim3A_28, %div3A_30 : vector<128x1x8xf32>
    %mul3A_32 = arith.mulf %div3A_31, %div3A_31 : vector<128x1x8xf32>
    %reduce_sum3A_33 = arith.constant dense<0.000000e+00> : vector<128x1xf32>
    %reduce_sum3A_34 = vector.multi_reduction <add>, %mul3A_32, %reduce_sum3A_33 [2] : vector<128x1x8xf32> to vector<128x1xf32>
    %broadcast_in_dim3A_35 = vector.shape_cast %reduce_sum3A_34 : vector<128x1xf32> to vector<128x1x1xf32>
    %sqrt3A_36 = math.sqrt %broadcast_in_dim3A_35 : vector<128x1x1xf32>
    %add3A_37 = arith.constant 1.000000e-07 : f32
    %add3A_38 = vector.broadcast %add3A_37 : f32 to vector<128x1x1xf32>
    %add3A_39 = arith.addf %sqrt3A_36, %add3A_38 : vector<128x1x1xf32>
    %div3A_40 = vector.broadcast %add3A_39 : vector<128x1x1xf32> to vector<128x1x8xf32>
    %div3A_41 = arith.divf %div3A_31, %div3A_40 : vector<128x1x8xf32>
    %mul3A_42 = arith.constant 1.500000e+00 : f32
    %mul3A_43 = vector.broadcast %mul3A_42 : f32 to vector<128x1x8xf32>
    %mul3A_44 = arith.mulf %mul3A_43, %div3A_41 : vector<128x1x8xf32>
    %add3A_45 = arith.addf %div3A_25, %mul3A_44 : vector<128x1x8xf32>
    %mul3A_46 = arith.mulf %add3A_45, %add3A_45 : vector<128x1x8xf32>
    %reduce_sum3A_47 = arith.constant dense<0.000000e+00> : vector<128x1xf32>
    %reduce_sum3A_48 = vector.multi_reduction <add>, %mul3A_46, %reduce_sum3A_47 [2] : vector<128x1x8xf32> to vector<128x1xf32>
    %broadcast_in_dim3A_49 = vector.shape_cast %reduce_sum3A_48 : vector<128x1xf32> to vector<128x1x1xf32>
    %sqrt3A_50 = math.sqrt %broadcast_in_dim3A_49 : vector<128x1x1xf32>
    %add3A_51 = arith.constant 1.000000e-07 : f32
    %add3A_52 = vector.broadcast %add3A_51 : f32 to vector<128x1x1xf32>
    %add3A_53 = arith.addf %sqrt3A_50, %add3A_52 : vector<128x1x1xf32>
    %div3A_54 = vector.broadcast %add3A_53 : vector<128x1x1xf32> to vector<128x1x8xf32>
    %div3A_55 = arith.divf %add3A_45, %div3A_54 : vector<128x1x8xf32>
    %add3A_56 = arith.constant 1.000000e-07 : f32
    %add3A_57 = vector.broadcast %add3A_56 : f32 to vector<128x16x1xf32>
    %add3A_58 = arith.addf %sqrt3A, %add3A_57 : vector<128x16x1xf32>
    %mul3A_59 = vector.broadcast %div3A_25 : vector<128x1x8xf32> to vector<128x16x8xf32>
    %mul3A_60 = arith.mulf %sub3A_2, %mul3A_59 : vector<128x16x8xf32>
    %reduce_sum3A_61 = arith.constant dense<0.000000e+00> : vector<128x16xf32>
    %reduce_sum3A_62 = vector.multi_reduction <add>, %mul3A_60, %reduce_sum3A_61 [2] : vector<128x16x8xf32> to vector<128x16xf32>
    %broadcast_in_dim3A_63 = vector.shape_cast %reduce_sum3A_62 : vector<128x16xf32> to vector<128x16x1xf32>
    %div3A_64 = arith.divf %broadcast_in_dim3A_63, %add3A_58 : vector<128x16x1xf32>
    %mul3A_65 = vector.broadcast %div3A_41 : vector<128x1x8xf32> to vector<128x16x8xf32>
    %mul3A_66 = arith.mulf %sub3A_2, %mul3A_65 : vector<128x16x8xf32>
    %reduce_sum3A_67 = arith.constant dense<0.000000e+00> : vector<128x16xf32>
    %reduce_sum3A_68 = vector.multi_reduction <add>, %mul3A_66, %reduce_sum3A_67 [2] : vector<128x16x8xf32> to vector<128x16xf32>
    %broadcast_in_dim3A_69 = vector.shape_cast %reduce_sum3A_68 : vector<128x16xf32> to vector<128x16x1xf32>
    %div3A_70 = arith.divf %broadcast_in_dim3A_69, %add3A_58 : vector<128x16x1xf32>
    %mul3A_71 = vector.broadcast %div3A_55 : vector<128x1x8xf32> to vector<128x16x8xf32>
    %mul3A_72 = arith.mulf %sub3A_2, %mul3A_71 : vector<128x16x8xf32>
    %reduce_sum3A_73 = arith.constant dense<0.000000e+00> : vector<128x16xf32>
    %reduce_sum3A_74 = vector.multi_reduction <add>, %mul3A_72, %reduce_sum3A_73 [2] : vector<128x16x8xf32> to vector<128x16xf32>
    %broadcast_in_dim3A_75 = vector.shape_cast %reduce_sum3A_74 : vector<128x16xf32> to vector<128x16x1xf32>
    %div3A_76 = arith.divf %broadcast_in_dim3A_75, %add3A_58 : vector<128x16x1xf32>
    %broadcast_in_dim3A_77 = arith.constant 0.000000e+00 : f32
    %broadcast_in_dim3A_78 = vector.broadcast %broadcast_in_dim3A_77 : f32 to vector<128x16x1xf32>
    %concatenate3A = tpu.concatenate %div3A_64, %div3A_70, %div3A_76, %sqrt3A, %broadcast_in_dim3A_78, %broadcast_in_dim3A_78, %broadcast_in_dim3A_78, %broadcast_in_dim3A_78 in 2 : vector<128x16x1xf32>, vector<128x16x1xf32>, vector<128x16x1xf32>, vector<128x16x1xf32>, vector<128x16x1xf32>, vector<128x16x1xf32>, vector<128x16x1xf32>, vector<128x16x1xf32> -> vector<128x16x8xf32>
    %reshape3A_79 = vector.shape_cast %concatenate3A : vector<128x16x8xf32> to vector<2048x8xf32>
    %get3A_80 = arith.constant 0 : index
    %get3A_81 = arith.constant 0 : index
    %get3A_82 = vector.load %arg2[%get3A_80, %get3A_81] : memref<8x64xf32, #tpu.memory_space<vmem>>, vector<8x64xf32>
    %dot_general3A = arith.constant dense<0.000000e+00> : vector<2048x64xf32>
    %dot_general3A_83 = tpu.matmul %reshape3A_79, %get3A_82, %dot_general3A {dimension_numbers = #tpu.dot_dimension_numbers<[1], [0], [0], [1], [0, 0, 1, 1], [], []>, transpose_lhs_hint = false} : vector<2048x8xf32>, vector<8x64xf32>, vector<2048x64xf32> -> vector<2048x64xf32>
    %max3A = arith.constant 0.000000e+00 : f32
    %max3A_84 = vector.broadcast %max3A : f32 to vector<2048x64xf32>
    %max3A_85 = arith.maximumf %dot_general3A_83, %max3A_84 : vector<2048x64xf32>
    %get3A_86 = arith.constant 0 : index
    %get3A_87 = arith.constant 0 : index
    %get3A_88 = vector.load %arg3[%get3A_86, %get3A_87] : memref<64x64xf32, #tpu.memory_space<vmem>>, vector<64x64xf32>
    %dot_general3A_89 = arith.constant dense<0.000000e+00> : vector<2048x64xf32>
    %dot_general3A_90 = tpu.matmul %max3A_85, %get3A_88, %dot_general3A_89 {dimension_numbers = #tpu.dot_dimension_numbers<[1], [0], [0], [1], [0, 0, 1, 1], [], []>, transpose_lhs_hint = false} : vector<2048x64xf32>, vector<64x64xf32>, vector<2048x64xf32> -> vector<2048x64xf32>
    %max3A_91 = arith.constant 0.000000e+00 : f32
    %max3A_92 = vector.broadcast %max3A_91 : f32 to vector<2048x64xf32>
    %max3A_93 = arith.maximumf %dot_general3A_90, %max3A_92 : vector<2048x64xf32>
    %get3A_94 = arith.constant 0 : index
    %get3A_95 = arith.constant 0 : index
    %get3A_96 = vector.load %arg4[%get3A_94, %get3A_95] : memref<64x64xf32, #tpu.memory_space<vmem>>, vector<64x64xf32>
    %dot_general3A_97 = arith.constant dense<0.000000e+00> : vector<2048x64xf32>
    %dot_general3A_98 = tpu.matmul %max3A_93, %get3A_96, %dot_general3A_97 {dimension_numbers = #tpu.dot_dimension_numbers<[1], [0], [0], [1], [0, 0, 1, 1], [], []>, transpose_lhs_hint = false} : vector<2048x64xf32>, vector<64x64xf32>, vector<2048x64xf32> -> vector<2048x64xf32>
    %max3A_99 = arith.constant 0.000000e+00 : f32
    %max3A_100 = vector.broadcast %max3A_99 : f32 to vector<2048x64xf32>
    %max3A_101 = arith.maximumf %dot_general3A_98, %max3A_100 : vector<2048x64xf32>
    %get3A_102 = arith.constant 0 : index
    %get3A_103 = arith.constant 0 : index
    %get3A_104 = vector.load %arg5[%get3A_102, %get3A_103] : memref<64x64xf32, #tpu.memory_space<vmem>>, vector<64x64xf32>
    %dot_general3A_105 = arith.constant dense<0.000000e+00> : vector<2048x64xf32>
    %dot_general3A_106 = tpu.matmul %max3A_101, %get3A_104, %dot_general3A_105 {dimension_numbers = #tpu.dot_dimension_numbers<[1], [0], [0], [1], [0, 0, 1, 1], [], []>, transpose_lhs_hint = false} : vector<2048x64xf32>, vector<64x64xf32>, vector<2048x64xf32> -> vector<2048x64xf32>
    %max3A_107 = arith.constant 0.000000e+00 : f32
    %max3A_108 = vector.broadcast %max3A_107 : f32 to vector<2048x64xf32>
    %max3A_109 = arith.maximumf %dot_general3A_106, %max3A_108 : vector<2048x64xf32>
    %get3A_110 = arith.constant 0 : index
    %get3A_111 = arith.constant 0 : index
    %get3A_112 = vector.load %arg6[%get3A_110, %get3A_111] : memref<64x64xf32, #tpu.memory_space<vmem>>, vector<64x64xf32>
    %dot_general3A_113 = arith.constant dense<0.000000e+00> : vector<2048x64xf32>
    %dot_general3A_114 = tpu.matmul %max3A_109, %get3A_112, %dot_general3A_113 {dimension_numbers = #tpu.dot_dimension_numbers<[1], [0], [0], [1], [0, 0, 1, 1], [], []>, transpose_lhs_hint = false} : vector<2048x64xf32>, vector<64x64xf32>, vector<2048x64xf32> -> vector<2048x64xf32>
    %max3A_115 = arith.constant 0.000000e+00 : f32
    %max3A_116 = vector.broadcast %max3A_115 : f32 to vector<2048x64xf32>
    %max3A_117 = arith.maximumf %dot_general3A_114, %max3A_116 : vector<2048x64xf32>
    %reshape3A_118 = vector.shape_cast %max3A_117 : vector<2048x64xf32> to vector<128x16x64xf32>
    %reduce_max3A_119 = arith.constant dense<0xFF800000> : vector<128x64xf32>
    %reduce_max3A_120 = vector.multi_reduction <maximumf>, %reshape3A_118, %reduce_max3A_119 [1] : vector<128x16x64xf32> to vector<128x64xf32>
    %swap3A = arith.constant 0 : index
    %swap3A_121 = arith.constant 0 : index
    %swap3A_122 = vector.load %arg7[%swap3A, %swap3A_121] : memref<128x64xf32, #tpu.memory_space<vmem>>, vector<128x64xf32>
    tpu.vector_store %arg7[%swap3A, %swap3A_121], %reduce_max3A_120 {strides = array<i32>} : memref<128x64xf32, #tpu.memory_space<vmem>>, vector<128x64xf32>,
    return
  }
  func.func @transform_0(%arg0: i32) -> (i32, i32) {
    %c0_i32 = arith.constant 0 : i32
    %c0_i32_0 = arith.constant 0 : i32
    return %arg0, %c0_i32 : i32, i32
  }
  func.func @transform_1(%arg0: i32) -> (i32, i32) {
    %c0_i32 = arith.constant 0 : i32
    %c0_i32_0 = arith.constant 0 : i32
    %c0_i32_1 = arith.constant 0 : i32
    return %c0_i32, %c0_i32_0 : i32, i32
  }
  func.func @transform_2(%arg0: i32) -> (i32, i32) {
    %c0_i32 = arith.constant 0 : i32
    %c0_i32_0 = arith.constant 0 : i32
    %c0_i32_1 = arith.constant 0 : i32
    return %c0_i32, %c0_i32_0 : i32, i32
  }
  func.func @transform_3(%arg0: i32) -> (i32, i32) {
    %c0_i32 = arith.constant 0 : i32
    %c0_i32_0 = arith.constant 0 : i32
    %c0_i32_1 = arith.constant 0 : i32
    return %c0_i32, %c0_i32_0 : i32, i32
  }
  func.func @transform_4(%arg0: i32) -> (i32, i32) {
    %c0_i32 = arith.constant 0 : i32
    %c0_i32_0 = arith.constant 0 : i32
    %c0_i32_1 = arith.constant 0 : i32
    return %c0_i32, %c0_i32_0 : i32, i32
  }
  func.func @transform_5(%arg0: i32) -> (i32, i32) {
    %c0_i32 = arith.constant 0 : i32
    %c0_i32_0 = arith.constant 0 : i32
    %c0_i32_1 = arith.constant 0 : i32
    return %c0_i32, %c0_i32_0 : i32, i32
  }
  func.func @transform_6(%arg0: i32) -> (i32, i32) {
    %c0_i32 = arith.constant 0 : i32
    %c0_i32_0 = arith.constant 0 : i32
    return %arg0, %c0_i32 : i32, i32
  }
}

module attributes {stable_mosaic.version = 14 : i64} {
  func.func @_tail1_body(%arg0: memref<8x8192xf32, #tpu.memory_space<vmem>>, %arg1: memref<64x8192xf32, #tpu.memory_space<vmem>>, %arg2: memref<64x8xf32, #tpu.memory_space<vmem>>, %arg3: memref<64x1xf32, #tpu.memory_space<vmem>>, %arg4: memref<64x1xf32, #tpu.memory_space<vmem>>, %arg5: memref<64x1xf32, #tpu.memory_space<vmem>>, %arg6: memref<128x64xf32, #tpu.memory_space<vmem>>, %arg7: memref<128x1xf32, #tpu.memory_space<vmem>>, %arg8: memref<128x1xf32, #tpu.memory_space<vmem>>, %arg9: memref<128x1xf32, #tpu.memory_space<vmem>>, %arg10: memref<256x192xf32, #tpu.memory_space<vmem>>, %arg11: memref<256x1xf32, #tpu.memory_space<vmem>>, %arg12: memref<256x1xf32, #tpu.memory_space<vmem>>, %arg13: memref<256x1xf32, #tpu.memory_space<vmem>>, %arg14: memref<256x8192xf32, #tpu.memory_space<vmem>>) attributes {dimension_semantics = [], scalar_prefetch = 0 : i64, scratch_operands = 0 : i64, tpu.core_type = #tpu.core_type<tc>} {
    %get3A = arith.constant 0 : index
    %get3A_0 = arith.constant 0 : index
    %get3A_1 = vector.load %arg2[%get3A, %get3A_0] : memref<64x8xf32, #tpu.memory_space<vmem>>, vector<64x8xf32>
    %get3A_2 = arith.constant 0 : index
    %get3A_3 = arith.constant 0 : index
    %get3A_4 = vector.load %arg0[%get3A_2, %get3A_3] : memref<8x8192xf32, #tpu.memory_space<vmem>>, vector<8x8192xf32>
    %dot_general3A = arith.constant dense<0.000000e+00> : vector<64x8192xf32>
    %dot_general3A_5 = tpu.matmul %get3A_1, %get3A_4, %dot_general3A {dimension_numbers = #tpu.dot_dimension_numbers<[1], [0], [0], [1], [0, 0, 1, 1], [], []>, transpose_lhs_hint = false} : vector<64x8xf32>, vector<8x8192xf32>, vector<64x8192xf32> -> vector<64x8192xf32>
    %get3A_6 = arith.constant 0 : index
    %get3A_7 = arith.constant 0 : index
    %get3A_8 = vector.load %arg3[%get3A_6, %get3A_7] : memref<64x1xf32, #tpu.memory_space<vmem>>, vector<64x1xf32>
    %add3A = vector.broadcast %get3A_8 : vector<64x1xf32> to vector<64x8192xf32>
    %add3A_9 = arith.addf %dot_general3A_5, %add3A : vector<64x8192xf32>
    %get3A_10 = arith.constant 0 : index
    %get3A_11 = arith.constant 0 : index
    %get3A_12 = vector.load %arg4[%get3A_10, %get3A_11] : memref<64x1xf32, #tpu.memory_space<vmem>>, vector<64x1xf32>
    %get3A_13 = arith.constant 0 : index
    %get3A_14 = arith.constant 0 : index
    %get3A_15 = vector.load %arg5[%get3A_13, %get3A_14] : memref<64x1xf32, #tpu.memory_space<vmem>>, vector<64x1xf32>
    %reduce_sum3A = arith.constant dense<0.000000e+00> : vector<64xf32>
    %reduce_sum3A_16 = vector.multi_reduction <add>, %add3A_9, %reduce_sum3A [1] : vector<64x8192xf32> to vector<64xf32>
    %broadcast_in_dim3A = vector.shape_cast %reduce_sum3A_16 : vector<64xf32> to vector<64x1xf32>
    %div3A = arith.constant 8.192000e+03 : f32
    %div3A_17 = vector.broadcast %div3A : f32 to vector<64x1xf32>
    %div3A_18 = arith.divf %broadcast_in_dim3A, %div3A_17 : vector<64x1xf32>
    %sub3A = vector.broadcast %div3A_18 : vector<64x1xf32> to vector<64x8192xf32>
    %sub3A_19 = arith.subf %add3A_9, %sub3A : vector<64x8192xf32>
    %integer_pow3A = arith.mulf %sub3A_19, %sub3A_19 : vector<64x8192xf32>
    %reduce_sum3A_20 = arith.constant dense<0.000000e+00> : vector<64xf32>
    %reduce_sum3A_21 = vector.multi_reduction <add>, %integer_pow3A, %reduce_sum3A_20 [1] : vector<64x8192xf32> to vector<64xf32>
    %broadcast_in_dim3A_22 = vector.shape_cast %reduce_sum3A_21 : vector<64xf32> to vector<64x1xf32>
    %div3A_23 = arith.constant 8.192000e+03 : f32
    %div3A_24 = vector.broadcast %div3A_23 : f32 to vector<64x1xf32>
    %div3A_25 = arith.divf %broadcast_in_dim3A_22, %div3A_24 : vector<64x1xf32>
    %sub3A_26 = vector.broadcast %div3A_18 : vector<64x1xf32> to vector<64x8192xf32>
    %sub3A_27 = arith.subf %add3A_9, %sub3A_26 : vector<64x8192xf32>
    %mul3A = vector.broadcast %get3A_12 : vector<64x1xf32> to vector<64x8192xf32>
    %mul3A_28 = arith.mulf %mul3A, %sub3A_27 : vector<64x8192xf32>
    %add3A_29 = arith.constant 9.99999974E-6 : f32
    %add3A_30 = vector.broadcast %add3A_29 : f32 to vector<64x1xf32>
    %add3A_31 = arith.addf %div3A_25, %add3A_30 : vector<64x1xf32>
    %sqrt3A = math.sqrt %add3A_31 : vector<64x1xf32>
    %div3A_32 = vector.broadcast %sqrt3A : vector<64x1xf32> to vector<64x8192xf32>
    %div3A_33 = arith.divf %mul3A_28, %div3A_32 : vector<64x8192xf32>
    %add3A_34 = vector.broadcast %get3A_15 : vector<64x1xf32> to vector<64x8192xf32>
    %add3A_35 = arith.addf %div3A_33, %add3A_34 : vector<64x8192xf32>
    %max3A = arith.constant 0.000000e+00 : f32
    %max3A_36 = vector.broadcast %max3A : f32 to vector<64x8192xf32>
    %max3A_37 = arith.maximumf %add3A_35, %max3A_36 : vector<64x8192xf32>
    %get3A_38 = arith.constant 0 : index
    %get3A_39 = arith.constant 0 : index
    %get3A_40 = vector.load %arg6[%get3A_38, %get3A_39] : memref<128x64xf32, #tpu.memory_space<vmem>>, vector<128x64xf32>
    %dot_general3A_41 = arith.constant dense<0.000000e+00> : vector<128x8192xf32>
    %dot_general3A_42 = tpu.matmul %get3A_40, %max3A_37, %dot_general3A_41 {dimension_numbers = #tpu.dot_dimension_numbers<[1], [0], [0], [1], [0, 0, 1, 1], [], []>, transpose_lhs_hint = false} : vector<128x64xf32>, vector<64x8192xf32>, vector<128x8192xf32> -> vector<128x8192xf32>
    %get3A_43 = arith.constant 0 : index
    %get3A_44 = arith.constant 0 : index
    %get3A_45 = vector.load %arg7[%get3A_43, %get3A_44] : memref<128x1xf32, #tpu.memory_space<vmem>>, vector<128x1xf32>
    %add3A_46 = vector.broadcast %get3A_45 : vector<128x1xf32> to vector<128x8192xf32>
    %add3A_47 = arith.addf %dot_general3A_42, %add3A_46 : vector<128x8192xf32>
    %get3A_48 = arith.constant 0 : index
    %get3A_49 = arith.constant 0 : index
    %get3A_50 = vector.load %arg8[%get3A_48, %get3A_49] : memref<128x1xf32, #tpu.memory_space<vmem>>, vector<128x1xf32>
    %get3A_51 = arith.constant 0 : index
    %get3A_52 = arith.constant 0 : index
    %get3A_53 = vector.load %arg9[%get3A_51, %get3A_52] : memref<128x1xf32, #tpu.memory_space<vmem>>, vector<128x1xf32>
    %reduce_sum3A_54 = arith.constant dense<0.000000e+00> : vector<128xf32>
    %reduce_sum3A_55 = vector.multi_reduction <add>, %add3A_47, %reduce_sum3A_54 [1] : vector<128x8192xf32> to vector<128xf32>
    %broadcast_in_dim3A_56 = vector.shape_cast %reduce_sum3A_55 : vector<128xf32> to vector<128x1xf32>
    %div3A_57 = arith.constant 8.192000e+03 : f32
    %div3A_58 = vector.broadcast %div3A_57 : f32 to vector<128x1xf32>
    %div3A_59 = arith.divf %broadcast_in_dim3A_56, %div3A_58 : vector<128x1xf32>
    %sub3A_60 = vector.broadcast %div3A_59 : vector<128x1xf32> to vector<128x8192xf32>
    %sub3A_61 = arith.subf %add3A_47, %sub3A_60 : vector<128x8192xf32>
    %integer_pow3A_62 = arith.mulf %sub3A_61, %sub3A_61 : vector<128x8192xf32>
    %reduce_sum3A_63 = arith.constant dense<0.000000e+00> : vector<128xf32>
    %reduce_sum3A_64 = vector.multi_reduction <add>, %integer_pow3A_62, %reduce_sum3A_63 [1] : vector<128x8192xf32> to vector<128xf32>
    %broadcast_in_dim3A_65 = vector.shape_cast %reduce_sum3A_64 : vector<128xf32> to vector<128x1xf32>
    %div3A_66 = arith.constant 8.192000e+03 : f32
    %div3A_67 = vector.broadcast %div3A_66 : f32 to vector<128x1xf32>
    %div3A_68 = arith.divf %broadcast_in_dim3A_65, %div3A_67 : vector<128x1xf32>
    %sub3A_69 = vector.broadcast %div3A_59 : vector<128x1xf32> to vector<128x8192xf32>
    %sub3A_70 = arith.subf %add3A_47, %sub3A_69 : vector<128x8192xf32>
    %mul3A_71 = vector.broadcast %get3A_50 : vector<128x1xf32> to vector<128x8192xf32>
    %mul3A_72 = arith.mulf %mul3A_71, %sub3A_70 : vector<128x8192xf32>
    %add3A_73 = arith.constant 9.99999974E-6 : f32
    %add3A_74 = vector.broadcast %add3A_73 : f32 to vector<128x1xf32>
    %add3A_75 = arith.addf %div3A_68, %add3A_74 : vector<128x1xf32>
    %sqrt3A_76 = math.sqrt %add3A_75 : vector<128x1xf32>
    %div3A_77 = vector.broadcast %sqrt3A_76 : vector<128x1xf32> to vector<128x8192xf32>
    %div3A_78 = arith.divf %mul3A_72, %div3A_77 : vector<128x8192xf32>
    %add3A_79 = vector.broadcast %get3A_53 : vector<128x1xf32> to vector<128x8192xf32>
    %add3A_80 = arith.addf %div3A_78, %add3A_79 : vector<128x8192xf32>
    %max3A_81 = arith.constant 0.000000e+00 : f32
    %max3A_82 = vector.broadcast %max3A_81 : f32 to vector<128x8192xf32>
    %max3A_83 = arith.maximumf %add3A_80, %max3A_82 : vector<128x8192xf32>
    %get3A_84 = arith.constant 0 : index
    %get3A_85 = arith.constant 0 : index
    %get3A_86 = vector.load %arg1[%get3A_84, %get3A_85] : memref<64x8192xf32, #tpu.memory_space<vmem>>, vector<64x8192xf32>
    %concatenate3A = tpu.concatenate %get3A_86, %max3A_83 in 0 : vector<64x8192xf32>, vector<128x8192xf32> -> vector<192x8192xf32>
    %get3A_87 = arith.constant 0 : index
    %get3A_88 = arith.constant 0 : index
    %get3A_89 = vector.load %arg10[%get3A_87, %get3A_88] : memref<256x192xf32, #tpu.memory_space<vmem>>, vector<256x192xf32>
    %dot_general3A_90 = arith.constant dense<0.000000e+00> : vector<256x8192xf32>
    %dot_general3A_91 = tpu.matmul %get3A_89, %concatenate3A, %dot_general3A_90 {dimension_numbers = #tpu.dot_dimension_numbers<[1], [0], [0], [1], [0, 0, 1, 1], [], []>, transpose_lhs_hint = false} : vector<256x192xf32>, vector<192x8192xf32>, vector<256x8192xf32> -> vector<256x8192xf32>
    %get3A_92 = arith.constant 0 : index
    %get3A_93 = arith.constant 0 : index
    %get3A_94 = vector.load %arg11[%get3A_92, %get3A_93] : memref<256x1xf32, #tpu.memory_space<vmem>>, vector<256x1xf32>
    %add3A_95 = vector.broadcast %get3A_94 : vector<256x1xf32> to vector<256x8192xf32>
    %add3A_96 = arith.addf %dot_general3A_91, %add3A_95 : vector<256x8192xf32>
    %get3A_97 = arith.constant 0 : index
    %get3A_98 = arith.constant 0 : index
    %get3A_99 = vector.load %arg12[%get3A_97, %get3A_98] : memref<256x1xf32, #tpu.memory_space<vmem>>, vector<256x1xf32>
    %get3A_100 = arith.constant 0 : index
    %get3A_101 = arith.constant 0 : index
    %get3A_102 = vector.load %arg13[%get3A_100, %get3A_101] : memref<256x1xf32, #tpu.memory_space<vmem>>, vector<256x1xf32>
    %reduce_sum3A_103 = arith.constant dense<0.000000e+00> : vector<256xf32>
    %reduce_sum3A_104 = vector.multi_reduction <add>, %add3A_96, %reduce_sum3A_103 [1] : vector<256x8192xf32> to vector<256xf32>
    %broadcast_in_dim3A_105 = vector.shape_cast %reduce_sum3A_104 : vector<256xf32> to vector<256x1xf32>
    %div3A_106 = arith.constant 8.192000e+03 : f32
    %div3A_107 = vector.broadcast %div3A_106 : f32 to vector<256x1xf32>
    %div3A_108 = arith.divf %broadcast_in_dim3A_105, %div3A_107 : vector<256x1xf32>
    %sub3A_109 = vector.broadcast %div3A_108 : vector<256x1xf32> to vector<256x8192xf32>
    %sub3A_110 = arith.subf %add3A_96, %sub3A_109 : vector<256x8192xf32>
    %integer_pow3A_111 = arith.mulf %sub3A_110, %sub3A_110 : vector<256x8192xf32>
    %reduce_sum3A_112 = arith.constant dense<0.000000e+00> : vector<256xf32>
    %reduce_sum3A_113 = vector.multi_reduction <add>, %integer_pow3A_111, %reduce_sum3A_112 [1] : vector<256x8192xf32> to vector<256xf32>
    %broadcast_in_dim3A_114 = vector.shape_cast %reduce_sum3A_113 : vector<256xf32> to vector<256x1xf32>
    %div3A_115 = arith.constant 8.192000e+03 : f32
    %div3A_116 = vector.broadcast %div3A_115 : f32 to vector<256x1xf32>
    %div3A_117 = arith.divf %broadcast_in_dim3A_114, %div3A_116 : vector<256x1xf32>
    %sub3A_118 = vector.broadcast %div3A_108 : vector<256x1xf32> to vector<256x8192xf32>
    %sub3A_119 = arith.subf %add3A_96, %sub3A_118 : vector<256x8192xf32>
    %mul3A_120 = vector.broadcast %get3A_99 : vector<256x1xf32> to vector<256x8192xf32>
    %mul3A_121 = arith.mulf %mul3A_120, %sub3A_119 : vector<256x8192xf32>
    %add3A_122 = arith.constant 9.99999974E-6 : f32
    %add3A_123 = vector.broadcast %add3A_122 : f32 to vector<256x1xf32>
    %add3A_124 = arith.addf %div3A_117, %add3A_123 : vector<256x1xf32>
    %sqrt3A_125 = math.sqrt %add3A_124 : vector<256x1xf32>
    %div3A_126 = vector.broadcast %sqrt3A_125 : vector<256x1xf32> to vector<256x8192xf32>
    %div3A_127 = arith.divf %mul3A_121, %div3A_126 : vector<256x8192xf32>
    %add3A_128 = vector.broadcast %get3A_102 : vector<256x1xf32> to vector<256x8192xf32>
    %add3A_129 = arith.addf %div3A_127, %add3A_128 : vector<256x8192xf32>
    %max3A_130 = arith.constant 0.000000e+00 : f32
    %max3A_131 = vector.broadcast %max3A_130 : f32 to vector<256x8192xf32>
    %max3A_132 = arith.maximumf %add3A_129, %max3A_131 : vector<256x8192xf32>
    %swap3A = arith.constant 0 : index
    %swap3A_133 = arith.constant 0 : index
    %swap3A_134 = vector.load %arg14[%swap3A, %swap3A_133] : memref<256x8192xf32, #tpu.memory_space<vmem>>, vector<256x8192xf32>
    tpu.vector_store %arg14[%swap3A, %swap3A_133], %max3A_132 {strides = array<i32>} : memref<256x8192xf32, #tpu.memory_space<vmem>>, vector<256x8192xf32>,
    return
  }
}

module attributes {stable_mosaic.version = 14 : i64} {
  func.func @_tail2_body(%arg0: i32, %arg1: memref<256x8192xf32, #tpu.memory_space<vmem>>, %arg2: memref<256x256xf32, #tpu.memory_space<vmem>>, %arg3: memref<256x1xf32, #tpu.memory_space<vmem>>, %arg4: memref<256x1xf32, #tpu.memory_space<vmem>>, %arg5: memref<256x1xf32, #tpu.memory_space<vmem>>, %arg6: memref<256x8192xf32, #tpu.memory_space<vmem>>) attributes {dimension_semantics = [#tpu.dimension_semantics<arbitrary>], iteration_bounds = array<i64: 4>, scalar_prefetch = 0 : i64, scratch_operands = 0 : i64, tpu.core_type = #tpu.core_type<tc>, window_params = [{pipeline_mode = #tpu.pipeline_mode<synchronous>, transform_indices = @transform_0, window_bounds = array<i64: 256, 8192>}, {transform_indices = @transform_1, window_bounds = array<i64: 256, 256>}, {transform_indices = @transform_2, window_bounds = array<i64: 256, 1>}, {transform_indices = @transform_3, window_bounds = array<i64: 256, 1>}, {transform_indices = @transform_4, window_bounds = array<i64: 256, 1>}, {transform_indices = @transform_5, window_bounds = array<i64: 256, 8192>}]} {
    %get3A = arith.constant 0 : index
    %get3A_0 = arith.constant 0 : index
    %get3A_1 = vector.load %arg2[%get3A, %get3A_0] : memref<256x256xf32, #tpu.memory_space<vmem>>, vector<256x256xf32>
    %get3A_2 = arith.constant 0 : index
    %get3A_3 = arith.constant 0 : index
    %get3A_4 = vector.load %arg1[%get3A_2, %get3A_3] : memref<256x8192xf32, #tpu.memory_space<vmem>>, vector<256x8192xf32>
    %dot_general3A = arith.constant dense<0.000000e+00> : vector<256x8192xf32>
    %dot_general3A_5 = tpu.matmul %get3A_1, %get3A_4, %dot_general3A {dimension_numbers = #tpu.dot_dimension_numbers<[1], [0], [0], [1], [0, 0, 1, 1], [], []>, transpose_lhs_hint = false} : vector<256x256xf32>, vector<256x8192xf32>, vector<256x8192xf32> -> vector<256x8192xf32>
    %get3A_6 = arith.constant 0 : index
    %get3A_7 = arith.constant 0 : index
    %get3A_8 = vector.load %arg3[%get3A_6, %get3A_7] : memref<256x1xf32, #tpu.memory_space<vmem>>, vector<256x1xf32>
    %add3A = vector.broadcast %get3A_8 : vector<256x1xf32> to vector<256x8192xf32>
    %add3A_9 = arith.addf %dot_general3A_5, %add3A : vector<256x8192xf32>
    %get3A_10 = arith.constant 0 : index
    %get3A_11 = arith.constant 0 : index
    %get3A_12 = vector.load %arg4[%get3A_10, %get3A_11] : memref<256x1xf32, #tpu.memory_space<vmem>>, vector<256x1xf32>
    %get3A_13 = arith.constant 0 : index
    %get3A_14 = arith.constant 0 : index
    %get3A_15 = vector.load %arg5[%get3A_13, %get3A_14] : memref<256x1xf32, #tpu.memory_space<vmem>>, vector<256x1xf32>
    %reduce_sum3A = arith.constant dense<0.000000e+00> : vector<256xf32>
    %reduce_sum3A_16 = vector.multi_reduction <add>, %add3A_9, %reduce_sum3A [1] : vector<256x8192xf32> to vector<256xf32>
    %broadcast_in_dim3A = vector.shape_cast %reduce_sum3A_16 : vector<256xf32> to vector<256x1xf32>
    %div3A = arith.constant 8.192000e+03 : f32
    %div3A_17 = vector.broadcast %div3A : f32 to vector<256x1xf32>
    %div3A_18 = arith.divf %broadcast_in_dim3A, %div3A_17 : vector<256x1xf32>
    %sub3A = vector.broadcast %div3A_18 : vector<256x1xf32> to vector<256x8192xf32>
    %sub3A_19 = arith.subf %add3A_9, %sub3A : vector<256x8192xf32>
    %integer_pow3A = arith.mulf %sub3A_19, %sub3A_19 : vector<256x8192xf32>
    %reduce_sum3A_20 = arith.constant dense<0.000000e+00> : vector<256xf32>
    %reduce_sum3A_21 = vector.multi_reduction <add>, %integer_pow3A, %reduce_sum3A_20 [1] : vector<256x8192xf32> to vector<256xf32>
    %broadcast_in_dim3A_22 = vector.shape_cast %reduce_sum3A_21 : vector<256xf32> to vector<256x1xf32>
    %div3A_23 = arith.constant 8.192000e+03 : f32
    %div3A_24 = vector.broadcast %div3A_23 : f32 to vector<256x1xf32>
    %div3A_25 = arith.divf %broadcast_in_dim3A_22, %div3A_24 : vector<256x1xf32>
    %sub3A_26 = vector.broadcast %div3A_18 : vector<256x1xf32> to vector<256x8192xf32>
    %sub3A_27 = arith.subf %add3A_9, %sub3A_26 : vector<256x8192xf32>
    %mul3A = vector.broadcast %get3A_12 : vector<256x1xf32> to vector<256x8192xf32>
    %mul3A_28 = arith.mulf %mul3A, %sub3A_27 : vector<256x8192xf32>
    %add3A_29 = arith.constant 9.99999974E-6 : f32
    %add3A_30 = vector.broadcast %add3A_29 : f32 to vector<256x1xf32>
    %add3A_31 = arith.addf %div3A_25, %add3A_30 : vector<256x1xf32>
    %sqrt3A = math.sqrt %add3A_31 : vector<256x1xf32>
    %div3A_32 = vector.broadcast %sqrt3A : vector<256x1xf32> to vector<256x8192xf32>
    %div3A_33 = arith.divf %mul3A_28, %div3A_32 : vector<256x8192xf32>
    %add3A_34 = vector.broadcast %get3A_15 : vector<256x1xf32> to vector<256x8192xf32>
    %add3A_35 = arith.addf %div3A_33, %add3A_34 : vector<256x8192xf32>
    %max3A = arith.constant 0.000000e+00 : f32
    %max3A_36 = vector.broadcast %max3A : f32 to vector<256x8192xf32>
    %max3A_37 = arith.maximumf %add3A_35, %max3A_36 : vector<256x8192xf32>
    %swap3A = arith.constant 0 : index
    %swap3A_38 = arith.constant 0 : index
    %swap3A_39 = vector.load %arg6[%swap3A, %swap3A_38] : memref<256x8192xf32, #tpu.memory_space<vmem>>, vector<256x8192xf32>
    tpu.vector_store %arg6[%swap3A, %swap3A_38], %max3A_37 {strides = array<i32>} : memref<256x8192xf32, #tpu.memory_space<vmem>>, vector<256x8192xf32>,
    return
  }
  func.func @transform_0(%arg0: i32) -> (i32, i32) {
    %c0_i32 = arith.constant 0 : i32
    %c0_i32_0 = arith.constant 0 : i32
    %c0_i32_1 = arith.constant 0 : i32
    return %c0_i32, %c0_i32_0 : i32, i32
  }
  func.func @transform_1(%arg0: i32) -> (i32, i32) {
    %c0_i32 = arith.constant 0 : i32
    %c0_i32_0 = arith.constant 0 : i32
    return %arg0, %c0_i32 : i32, i32
  }
  func.func @transform_2(%arg0: i32) -> (i32, i32) {
    %c0_i32 = arith.constant 0 : i32
    %c0_i32_0 = arith.constant 0 : i32
    return %arg0, %c0_i32 : i32, i32
  }
  func.func @transform_3(%arg0: i32) -> (i32, i32) {
    %c0_i32 = arith.constant 0 : i32
    %c0_i32_0 = arith.constant 0 : i32
    return %arg0, %c0_i32 : i32, i32
  }
  func.func @transform_4(%arg0: i32) -> (i32, i32) {
    %c0_i32 = arith.constant 0 : i32
    %c0_i32_0 = arith.constant 0 : i32
    return %arg0, %c0_i32 : i32, i32
  }
  func.func @transform_5(%arg0: i32) -> (i32, i32) {
    %c0_i32 = arith.constant 0 : i32
    %c0_i32_0 = arith.constant 0 : i32
    return %arg0, %c0_i32 : i32, i32
  }
}

</mosaic_0001>

<sc_bundles>
// kernel: kernel.8.cloned.1.call-start
scs
__scs_entry_jumppad:
0x0: {  	(pc) =	sbr.rel $0x88, $3  }
0x1: {  	(tag) =	ssettag $0x0;
	lr =	simm.s32 $0x1  }
0x2: {  	[smem:$0x3F8B] =	sst lr;
	_ =	strace $0xD0000000  }
0x3: {  	_ = 	snop  }
0x4: {  	_ = 	snop  }
0x5: {  	_ = 	snop  }
0x6: {  	_ = 	snop  }
0x7: {  	_ = 	snop  }
__scs_overlays_trampoline_lowered:
0x8: {  	[smem:$0x3F9A] =	sst s0  }
0x9: {  	[smem:$0x3F9B] =	sst s1  }
0xa: {  	[smem:$0x3F9C] =	sst s2  }
0xb: {  	[smem:$0x3F9D] =	sst s3  }
0xc: {  	[smem:$0x3F9E] =	sst s4  }
0xd: {  	[smem:$0x3F9F] =	sst s5  }
0xe: {  	[smem:$0x3FA0] =	sst s6  }
0xf: {  	[smem:$0x3FA1] =	sst s7  }
0x10: {  	[smem:$0x3FA2] =	sst s8  }
0x11: {  	[smem:$0x3FA3] =	sst s9;
	s0 =	simm.s32 @!p0 $0x0  }
0x12: {  	s1 =	sld [smem:$0x3F89];
	s0 =	simm.s32 @p0 $0x1  }
0x13: {  	[smem:$0x3FA4] =	sst s0;
	s0 =	simm.s32 @!p1 $0x0  }
0x14: {  	s2 =	sld [smem:$0x3F88];
	s0 =	simm.s32 @p1 $0x1  }
0x15: {  	[smem:$0x3FA5] =	sst s0;
	s0 =	simm.s32 @!p2 $0x0  }
0x16: {  	s3 =	sld [smem:$0x3FDB];
	s0 =	simm.s32 @p2 $0x1  }
0x17: {  	s4 =	simm.s32 $0x1BF5;
	[smem:$0x3FA7] =	sst s0  }
0x18: {  	s0 =	sld [smem:$0x3F8A];
	_ =	swait.ge [sflag:s4], $0x0  }
0x19: {  	s7 =	sld [smem:$0x3F8B]  }
0x1a: {  	s8 =	sadd.s32 $0xFFFFE003, lr  }
0x1b: {  	s9 =	sadd.s32 $0xFFFFFEF7, lr;
	s5 =	simm.s32 $0xFFFFFFFF;
	p2 =	slt.u32 s8, $0xFFFFF086  }
0x1c: {  	p1 =	slt.u32 s9, $0xF7A;
	s5 =	simm.s32 @!p2 $0x0  }
0x1d: {  	s5 =	simm.s32 @p1 $0x1;
	p0 =	seq.s32 s7, s2  }
0x1e: {  	s7 =	smul.u32 @!p0 $0xF7A, s2;
	p2 =	seq.s32 @!p0 s5, $0x0  }
0x1f: {  	s9 =	smul.u32 $0xF7A, s1;
	s8 =	simm.s32 @!p0 $0x1BF5;
	p2 =	por !p2, p0  }
0x20: {  	[sflag:s8] =	ssyncset.s32 @!p0 $0xFFFFF086;
	s6 =	sadd.s32 @!p0 s3, s7;
	s7 =	simm.s32 @!p0 $0x108  }
0x21: {  	s3 =	sadd.s32 s3, s9;
	s6 =	sadd.s32 @!p0 $0x88, s6;
	s7 =	simm.s32 @p2 $0x1082  }
0x22: {  	[simem:s7], [sflag:s8] =	dma.local @!p0 [hbm:s6], $0xF7A  }
0x23: {  	s9 =	sor.u32 $0xD0000000, s2;
	s6 =	simm.s32 $0x108;
	_ =	swait.ge @!p0 [sflag:s8], $0x0  }
0x24: {  	s3 =	sadd.s32 $0x88, s3;
	s6 =	simm.s32 @!p1 $0x1082;
	[sflag:s4] =	ssyncset.s32 $0xFFFFF086  }
0x25: {  	[simem:s6], [sflag:s4] =	dma.local [hbm:s3], $0xF7A  }
0x26: {  	[smem:$0x3F8B] =	sst s1;
	(tag) =	ssettag s2;
	_ =	strace s9  }
0x27: {  	s1 =	sld [smem:$0x3F9B]  }
0x28: {  	s2 =	sld [smem:$0x3F9C]  }
0x29: {  	s4 =	sld [smem:$0x3F9E]  }
0x2a: {  	p0 =	seq.s32 s5, $0x0;
	s5 =	sld [smem:$0x3F9F]  }
0x2b: {  	s6 =	sld [smem:$0x3FA0]  }
0x2c: {  	s7 =	sld [smem:$0x3FA1]  }
0x2d: {  	s3 =	simm.s32 $0x108;
	s8 =	sld [smem:$0x3FA2]  }
0x2e: {  	s3 =	simm.s32 @!p0 $0x1082;
	s9 =	sld [smem:$0x3FA3]  }
0x2f: {  	lr =	sadd.s32 s0, s3;
	s0 =	sld [smem:$0x3F9A]  }
0x30: {  	s3 =	sld [smem:$0x3F9D]  }
0x31: {  	[smem:$0x3FA6] =	sst s10  }
0x32: {  	s10 =	sld [smem:$0x3FA4];
	_ =	sdelay $0x3  }
0x33: {  	p0 =	seq.s32 s10, $0x1;
	s10 =	sld [smem:$0x3FA6];
	_ =	sdelay $0x3  }
0x34: {  	[smem:$0x3FA6] =	sst s10  }
0x35: {  	s10 =	sld [smem:$0x3FA5];
	_ =	sdelay $0x3  }
0x36: {  	p1 =	seq.s32 s10, $0x1;
	s10 =	sld [smem:$0x3FA6];
	_ =	sdelay $0x3  }
0x37: {  	[smem:$0x3FA6] =	sst s10  }
0x38: {  	s10 =	sld [smem:$0x3FA7]  }
0x39: {  	_ = 	snop;
	(pc) =	sbr.ind lr, $3  }
0x3a: {  	_ = 	snop  }
0x3b: {  	_ = 	snop  }
0x3c: {  	p2 =	seq.s32 s10, $0x1;
	s10 =	sld [smem:$0x3FA6]  }
0x3d: {  	_ =	shalt  }
0x3e: {  	_ =	shalt  }
0x3f: {  	_ =	shalt  }
0x40: {  	_ =	shalt  }
0x41: {  	_ =	shalt  }
0x42: {  	_ =	shalt  }
0x43: {  	_ =	shalt  }
0x44: {  	_ =	shalt  }
0x45: {  	_ =	shalt  }
0x46: {  	_ =	shalt  }
0x47: {  	_ =	shalt  }
0x48: {  	_ =	shalt  }
0x49: {  	_ =	shalt  }
0x4a: {  	_ =	shalt  }
0x4b: {  	_ =	shalt  }
0x4c: {  	_ =	shalt  }
0x4d: {  	_ =	shalt  }
0x4e: {  	_ =	shalt  }
0x4f: {  	_ =	shalt  }
0x50: {  	_ =	shalt  }
0x51: {  	_ =	shalt  }
0x52: {  	_ =	shalt  }
0x53: {  	_ =	shalt  }
0x54: {  	_ =	shalt  }
0x55: {  	_ =	shalt  }
0x56: {  	_ =	shalt  }
0x57: {  	_ =	shalt  }
0x58: {  	_ =	shalt  }
0x59: {  	_ =	shalt  }
0x5a: {  	_ =	shalt  }
0x5b: {  	_ =	shalt  }
0x5c: {  	_ =	shalt  }
0x5d: {  	_ =	shalt  }
0x5e: {  	_ =	shalt  }
0x5f: {  	_ =	shalt  }
0x60: {  	_ =	shalt  }
0x61: {  	_ =	shalt  }
0x62: {  	_ =	shalt  }
0x63: {  	_ =	shalt  }
0x64: {  	_ =	shalt  }
0x65: {  	_ =	shalt  }
0x66: {  	_ =	shalt  }
0x67: {  	_ =	shalt  }
0x68: {  	_ =	shalt  }
0x69: {  	_ =	shalt  }
0x6a: {  	_ =	shalt  }
0x6b: {  	_ =	shalt  }
0x6c: {  	_ =	shalt  }
0x6d: {  	_ =	shalt  }
0x6e: {  	_ =	shalt  }
0x6f: {  	_ =	shalt  }
0x70: {  	_ =	shalt  }
0x71: {  	_ =	shalt  }
0x72: {  	_ =	shalt  }
0x73: {  	_ =	shalt  }
0x74: {  	_ =	shalt  }
0x75: {  	_ =	shalt  }
0x76: {  	_ =	shalt  }
0x77: {  	_ =	shalt  }
0x78: {  	_ =	shalt  }
0x79: {  	_ =	shalt  }
0x7a: {  	_ =	shalt  }
0x7b: {  	_ =	shalt  }
0x7c: {  	_ =	shalt  }
0x7d: {  	_ =	shalt  }
0x7e: {  	_ =	shalt  }
0x7f: {  	_ =	shalt  }
0x80: {  	_ =	shalt  }
0x81: {  	_ =	shalt  }
0x82: {  	_ =	shalt  }
0x83: {  	_ =	shalt  }
0x84: {  	_ =	shalt  }
0x85: {  	_ =	shalt  }
0x86: {  	_ =	shalt  }
0x87: {  	_ =	shalt  }
.Lfunc_end0:
.L_simem_size_0:
called_computation.1_lowered:
.L_overlay_start_0:
0x88: {  	s2 =	sld [smem:$0x3FD9]  }
0x89: {  	s3 =	sld [smem:$0x3FFE];
	_ =	sdelay $0x1  }
0x8a: {  	s1 =	srdreg.scid  }
0x8b: {  	s0 =	sand.u32 $0x1, s1  }
0x8c: {  	s17 =	sshll.u32 s0, $0xA;
	s2 =	sadd.s32 s3, s2  }
0x8d: {  	s2 =	sadd.s32 s2, s17  }
0x8e: {  	[smem:$0x3FB2] =	sst s2  }
0x8f: {  	_ = 	snop  }
0x90: {  	s2 =	sld [smem:$0x3FD0];
	(tm) =	ssettm $0x1  }
0x91: {  	s18 =	sld [smem:$0x3FFB];
	_ =	sdelay $0x3  }
0x92: {  	_ =	strace s18  }
0x93: {  	s3 =	sld [smem:$0x3FFC];
	_ =	sdelay $0x3  }
0x94: {  	_ =	strace s3  }
0x95: {  	s3 =	sld [smem:$0x3FFD];
	_ =	sdelay $0x3  }
0x96: {  	_ =	strace s3  }
0x97: {  	_ =	strace $0x8FFFFFFF  }
0x98: {  	s19 =	sld [smem:$0x3FDB];
	_ =	sdelay $0x1  }
0x99: {  	s4 =	simm.s32 $_scs_section_size  }
0x9a: {  	s5 =	simm.s32 $_size__tile_overlayer_lowered;
	s6 =	simm.s32 $_tile_overlayer_lowered  }
0x9b: {  	s22 =	simm.s32 $0x1BFF;
	s21 =	sshll.u32 s6, $0x1;
	s3 =	sadd.s32 s4, s19  }
0x9c: {  	s7 =	simm.s32 $0x0;
	s20 =	sshll.u32 s5, $0x1;
	s5 =	sadd.s32 s21, s3  }
0x9d: {  	[timem:s7], [sflag:s22] =	dma.local [hbm:s5], s20  }
0x9e: {  	_ =	swait.ge [sflag:s22], s20  }
0x9f: {  	s4 =	ssub.s32 $0x0, s20;
	[sflag:s22] =	ssyncset.done $0x0  }
0xa0: {  	[sflag:s22] =	ssyncadd.s32 s4;
	_ =	sdelay $0x1  }
0xa1: {  	s23 =	simm.s32 $0x1B8B  }
0xa2: {  	_ =	swait.ge [sflag:s23], $0x1  }
0xa3: {  	[sflag:s23] =	ssyncset.done $0x0  }
0xa4: {  	s25 =	simm.s32 $0x1B8E;
	s24 =	sld [smem:$0x3FFE];
	[sflag:s23] =	ssyncadd.s32 $0xFFFFFFFF  }
0xa5: {  	s26 =	simm.s32 $execute0_lowered;
	[smem:$0x3FD2] =	sst s25  }
0xa6: {  	s5 =	sshll.u32 s26, $0x1;
	_ =	strace $0x80000046;
	[dreg:$0x1] =	wrdreg $0xFFFFFFFF  }
0xa7: {  	s28 =	simm.s32 $_size_execute0_lowered;
	s3 =	sadd.s32 s3, s5;
	[dreg:$0x0] =	wrdreg $0x0  }
0xa8: {  	s5 =	sshll.u32 s28, $0x1;
	[dreg:$0x2] =	wrdreg s3  }
0xa9: {  	[dreg:$0x3] =	wrdreg s5  }
0xaa: {  	[dreg:$0x4] =	wrdreg $0xC0  }
0xab: {  	_ =	task [dreg:s7], $0x5FFFF  }
0xac: {  	[dreg:$0x1] =	wrdreg $0xFFFFFFFF  }
0xad: {  	[dreg:$0x0] =	wrdreg $0x60  }
0xae: {  	[dreg:$0x2] =	wrdreg s24  }
0xaf: {  	[dreg:$0x3] =	wrdreg s2  }
0xb0: {  	[dreg:$0x4] =	wrdreg $0x9  }
0xb1: {  	_ =	task.clear_ibuf [dreg:s7], $0x5FFFF;
	_ =	strace $0x90000046  }
0xb2: {  	s29 =	simm.s32 $0x9;
	_ =	strace $0x80000048  }
0xb3: {  	_ =	swait.ge [sflag:s29], $0x1  }
0xb4: {  	[sflag:s29] =	ssyncadd.s32 $0xFFFFFFFF  }
0xb5: {  	_ =	strace $0x90000048  }
0xb6: {  	_ =	sfence  }
0xb7: {  	s30 =	sld [smem:$0x0];
	_ =	sdelay $0x2  }
0xb8: {  	s31 =	sshll.u32 s1, $0xD;
	s1 =	sshrl.u32 s1, $0x2  }
0xb9: {  	s3 =	sand.u32 $0x4000, s31;
	s1 =	sadd.s32 s1, s30  }
0xba: {  	s0 =	sor.u32 s3, s0;
	s1 =	sshll.u32 s1, $0x11  }
0xbb: {  	s0 =	sor.u32 s1, s0  }
0xbc: {  	s0 =	sadd.s32 $0x8F2B, s0  }
0xbd: {  	[sflag:s0] =	ssyncadd.remote.s32 $0x1  }
0xbe: {  	_ =	sfence.sel $0xFFFF  }
0xbf: {  	[dreg:$0x0] =	wrdreg $0xFFFFFFFF;
	(pc) =	sbr.abs _section_cstart, $3  }
0xc0: {  	[dreg:$0x1] =	wrdreg $0xFFFFFFFF  }
0xc1: {  	_ =	task.clear_ibuf [dreg:s7], $0x2FFFF;
	_ =	strace $0x9FFFFFFF  }
0xc2: {  	(tm) =	ssettm $0x7FFFFFFF  }
0xc3: {  	_ =	shalt  }
tec
execute0_lowered:
.L_overlay_start_1:
0x0: {  	(tag) =	ssettag $0x1  }
0x1: {  	s5 =	rddreg [dreg:$0x0]  }
0x2: {  	s7 =	rddreg [dreg:$0x1]  }
0x3: {  	s0 =	rddreg [dreg:$0x2]  }
0x4: {  	s2 =	simm.s32 $0x0;
	s3 =	srdreg.scid;
	s1 =	stileid.u32  }
0x5: {  	s10 =	simm.s32 $0x400;
	s11 =	simm.s32 $0x1;
	s12 =	simm.s32 $0x2000  }
0x6: {  	s13 =	simm.s32 $0x4000;
	s14 =	simm.s32 $0x7000;
	s15 =	simm.s32 $0x0  }
0x7: {  	[smem:$0x7FF] =	sst s2;
	s3 =	sand.u32 $0x1, s3;
	s4 =	sshll.u32 s1, $0x1  }
0x8: {  	_ =	strace $0x80000047;
	s8 =	sor.u32 s3, s4;
	s31 =	ssub.s32 $0x2, s3  }
0x9: {  	s3 =	sadd.s32 $0x3400, s5;
	s4 =	sadd.s32 $0x3410, s5;
	s6 =	sshll.u32 s8, $0x9  }
0xa: {  	s9 =	sshrl.u32 s31, $0x1;
	s8 =	sshll.u32 s8, $0xC;
	s6 =	sadd.s32 s6, s5  }
0xb: {  	v0 =	vlaneseq.u32;
	s9 =	ssub.s32 s31, s9;
	s5 =	sadd.s32 $0x3420, s5;
	s7 =	sadd.s32 s7, s8  }
0xc: {  	v1 =	vimm.f32 $0.0e+00;
	v0 =	vmul.u32 $0x8, v0;
	s6 =	sadd.s32 $0x5400, s6;
	s8 =	smax.u32 s9, $0x1;
	s9 =	simm.s32 $0x80  }
.LBB2_1:
0xd: {  	[tilespmem:s2], [sflag:$0x1] =	stream.strided.gather [hbm4b:s3+s9], $0x2000, s10, s9, $0x38;
	[tilespmem:$0xF000] =	vst v63  }
0xe: {  	_ =	swait.ge [sflag:s11], $0x2000  }
0xf: {  	[sflag:s11] =	ssyncset.done $0x0  }
0x10: {  	[sflag:s11] =	ssyncadd.s32 $0xFFFFE000  }
0x11: {  	[tilespmem:s12], [sflag:$0x1] =	stream.strided.gather [hbm4b:s4+s9], $0x2000, s10, s9, $0x38;
	[tilespmem:$0xF000] =	vst v63  }
0x12: {  	_ =	swait.ge [sflag:s11], $0x2000  }
0x13: {  	[sflag:s11] =	ssyncset.done $0x0  }
0x14: {  	[sflag:s11] =	ssyncadd.s32 $0xFFFFE000  }
0x15: {  	[tilespmem:s13], [sflag:$0x1] =	stream.strided.gather [hbm4b:s5+s9], $0x2000, s10, s9, $0x38;
	[tilespmem:$0xF000] =	vst v63  }
0x16: {  	_ =	swait.ge [sflag:s11], $0x2000  }
0x17: {  	[sflag:s11] =	ssyncset.done $0x0  }
0x18: {  	s16 =	simm.s32 $0x6000;
	[sflag:s11] =	ssyncadd.s32 $0xFFFFE000  }
0x19: {  	[tilespmem:s16], [sflag:$0x1] =	stream.linear.gather [hbm4b:s6+s2], $0x1000, $0x38;
	[tilespmem:$0xF000] =	vst v63  }
0x1a: {  	_ =	swait.ge [sflag:s11], $0x1000  }
0x1b: {  	[sflag:s11] =	ssyncset.done $0x0  }
0x1c: {  	[sflag:s11] =	ssyncadd.s32 $0xFFFFF000  }
0x1d: {  	v2 =	vld [tilespmem:s16+$0x0];
	_ =	sdelay $0x5  }
0x1e: {  	v3 =	vmov s2  }
0x1f: {  	v3 =	vshll.u32 v3, $0x3  }
0x20: {  	v3 =	vor.u32 v0, v3;
	v4 =	vld.idx.msk [tilespmem:v2+s2+$0x0], $0xffff;
	_ =	sdelay $0x4  }
0x21: {  	[tilespmem:v3+s14+$0x0] =	vst.idx.msk $0xffff, v4  }
0x22: {  	v5 =	vor.u32 $0x1, v3;
	v4 =	vld.idx.msk [tilespmem:v2+s12+$0x0], $0xffff;
	_ =	sdelay $0x4  }
0x23: {  	[tilespmem:v5+s14+$0x0] =	vst.idx.msk $0xffff, v4  }
0x24: {  	v62 =	vor.u32 $0x2, v3;
	v2 =	vld.idx.msk [tilespmem:v2+s13+$0x0], $0xffff  }
0x25: {  	v63 =	vor.u32 $0x3, v3  }
0x26: {  	v6 =	vor.u32 $0x4, v3  }
0x27: {  	v7 =	vor.u32 $0x5, v3  }
0x28: {  	v8 =	vor.u32 $0x6, v3  }
0x29: {  	[tilespmem:v62+s14+$0x0] =	vst.idx.msk $0xffff, v2  }
0x2a: {  	v2 =	vor.u32 $0x7, v3;
	[tilespmem:v63+s14+$0x0] =	vst.idx.msk $0xffff, v1  }
0x2b: {  	[tilespmem:v6+s14+$0x0] =	vst.idx.msk $0xffff, v1  }
0x2c: {  	[tilespmem:v7+s14+$0x0] =	vst.idx.msk $0xffff, v1  }
0x2d: {  	s17 =	simm.s32 $0x10;
	[tilespmem:v8+s14+$0x0] =	vst.idx.msk $0xffff, v1  }
.LBB2_2:
0x2e: {  	p0 =	sne.s32 s17, $0xFF0  }
0x2f: {  	[tilespmem:v2+s14+$0x0] =	vst.idx.msk $0xffff, v1;
	s16 =	sadd.s32 $0x10, s16;
	s18 =	smov.u32 s17;
	s17 =	sadd.s32 $0x10, s17  }
0x30: {  	v2 =	vld [tilespmem:s16+$0x0];
	_ =	sdelay $0x6  }
0x31: {  	v3 =	vmov s18  }
0x32: {  	v3 =	vshll.u32 v3, $0x3;
	v4 =	vld.idx.msk [tilespmem:v2+s2+$0x0], $0xffff  }
0x33: {  	v3 =	vor.u32 v0, v3;
	_ =	sdelay $0x4  }
0x34: {  	[tilespmem:v3+s14+$0x0] =	vst.idx.msk $0xffff, v4  }
0x35: {  	v4 =	vld.idx.msk [tilespmem:v2+s12+$0x0], $0xffff  }
0x36: {  	v5 =	vor.u32 $0x1, v3;
	_ =	sdelay $0x4  }
0x37: {  	[tilespmem:v5+s14+$0x0] =	vst.idx.msk $0xffff, v4  }
0x38: {  	v2 =	vld.idx.msk [tilespmem:v2+s13+$0x0], $0xffff  }
0x39: {  	v4 =	vor.u32 $0x2, v3  }
0x3a: {  	v5 =	vor.u32 $0x3, v3  }
0x3b: {  	v6 =	vor.u32 $0x4, v3  }
0x3c: {  	v7 =	vor.u32 $0x5, v3  }
0x3d: {  	v8 =	vor.u32 $0x6, v3  }
.Ltmp0:
0x3e: {  	[tilespmem:v4+s14+$0x0] =	vst.idx.msk $0xffff, v2;
	v2 =	vor.u32 $0x7, v3;
	(pc) =	sbr.rel @p0 .LBB2_2-.Ltmp0, $4  }
0x3f: {  	[tilespmem:v5+s14+$0x0] =	vst.idx.msk $0xffff, v1  }
0x40: {  	[tilespmem:v6+s14+$0x0] =	vst.idx.msk $0xffff, v1  }
0x41: {  	[tilespmem:v7+s14+$0x0] =	vst.idx.msk $0xffff, v1  }
0x42: {  	[tilespmem:v8+s14+$0x0] =	vst.idx.msk $0xffff, v1  }
0x43: {  	_ =	sdelay $0x1  }
0x44: {  	s15 =	sadd.s32 $0x1, s15  }
0x45: {  	p0 =	sne.s32 s15, s8  }
.Ltmp1:
0x46: {  	[tilespmem:v2+s14+$0x0] =	vst.idx.msk $0xffff, v1;
	(pc) =	sbr.rel @p0 .LBB2_1-.Ltmp1, $4  }
0x47: {  	[hbm4b:s7+s2] =	stream.linear.scatter [tilespmem:s14], [sflag:$0x1], $0x8000, $0x38;
	[tilespmem:$0xF000] =	vst v63  }
0x48: {  	_ =	swait.ge [sflag:s11], $0x8000  }
0x49: {  	[sflag:s11] =	ssyncset.done $0x0  }
0x4a: {  	[sflag:s11] =	ssyncadd.s32 $0xFFFF8000  }
0x4b: {  	_ =	sfence.sel $0x180000  }
0x4c: {  	[bflag:$0x0] =	sbarrier.arrive $0xFFFF  }
0x4d: {  	p0 =	sne.s32 s1, $0x0;
	_ =	strace $0x90000047  }
0x4e: {  	s0 =	sadd.s32 @!p0 $0x100000, s0;
	[bflag:$0x2] =	sbarrier.arrive $0xFFFF  }
0x4f: {  	[sflag:s0] =	ssyncadd.tile.s32 @!p0 $0x1;
	_ =	shalt  }
.Lfunc_end2:
_tile_overlayer_lowered:
.L_overlay_start_2:
0x50: {  	(tag) =	ssettag $0x2  }
0x51: {  	s0 =	rddreg [dreg:$0x0];
	s2 =	stileid.u32  }
0x52: {  	s1 =	rddreg [dreg:$0x1];
	p0 =	sne.s32 s2, $0x0  }
0x53: {  	s3 =	rddreg [dreg:$0x2];
	[bflag:$0x3] =	sbarrier.arrive $0xFFFF;
	s2 =	simm.s32 @!p0 $0x1C01  }
0x54: {  	[timem:s3], [sflag:s2] =	dma.local @!p0 [hbm:s0], s1  }
0x55: {  	s0 =	simm.s32 @!p0 $0x1  }
0x56: {  	_ =	swait.ge @!p0 [sflag:s0], s1  }
0x57: {  	s1 =	ssub.s32 @!p0 $0x0, s1;
	[sflag:s0] =	ssyncset.done @!p0 $0x0  }
0x58: {  	[sflag:s0] =	ssyncadd.s32 @!p0 s1  }
0x59: {  	[bflag:$0x3] =	sbarrier.arrive $0xFFFF  }
0x5a: {  	_ =	shalt  }

// kernel: sparse-core-data-format-call.cloned.1.call-start
scs
called_computation_lowered:
.L_overlay_start_0:
0x0: {  	s2 =	sld [smem:$0x3FD9]  }
0x1: {  	s3 =	sld [smem:$0x3FFE];
	_ =	sdelay $0x1  }
0x2: {  	s1 =	srdreg.scid  }
0x3: {  	s0 =	sand.u32 $0x1, s1  }
0x4: {  	s18 =	sshll.u32 s0, $0xA;
	s2 =	sadd.s32 s3, s2  }
0x5: {  	s2 =	sadd.s32 s2, s18  }
0x6: {  	[smem:$0x3FB2] =	sst s2  }
0x7: {  	_ = 	snop  }
0x8: {  	s2 =	sld [smem:$0x3FD0];
	(tm) =	ssettm $0x1  }
0x9: {  	s19 =	sld [smem:$0x3FFB];
	_ =	sdelay $0x3  }
0xa: {  	_ =	strace s19  }
0xb: {  	s3 =	sld [smem:$0x3FFC];
	_ =	sdelay $0x3  }
0xc: {  	_ =	strace s3  }
0xd: {  	s3 =	sld [smem:$0x3FFD];
	_ =	sdelay $0x3  }
0xe: {  	_ =	strace s3  }
0xf: {  	_ =	strace $0x8FFFFFFF  }
0x10: {  	s20 =	sld [smem:$0x3FDB];
	_ =	sdelay $0x1  }
0x11: {  	s4 =	simm.s32 $_scs_section_size  }
0x12: {  	s5 =	simm.s32 $_size__tile_overlayer_lowered;
	s6 =	simm.s32 $_tile_overlayer_lowered  }
0x13: {  	s23 =	simm.s32 $0x1BFF;
	s22 =	sshll.u32 s6, $0x1;
	s3 =	sadd.s32 s4, s20  }
0x14: {  	s7 =	simm.s32 $0x0;
	s21 =	sshll.u32 s5, $0x1;
	s5 =	sadd.s32 s22, s3  }
0x15: {  	[timem:s7], [sflag:s23] =	dma.local [hbm:s5], s21  }
0x16: {  	_ =	swait.ge [sflag:s23], s21  }
0x17: {  	s4 =	ssub.s32 $0x0, s21;
	[sflag:s23] =	ssyncset.done $0x0  }
0x18: {  	[sflag:s23] =	ssyncadd.s32 s4;
	_ =	sdelay $0x1  }
0x19: {  	s24 =	simm.s32 $0x1B8B  }
0x1a: {  	_ =	swait.ge [sflag:s24], $0x1  }
0x1b: {  	[sflag:s24] =	ssyncset.done $0x0  }
0x1c: {  	s26 =	simm.s32 $0x1B8E;
	s25 =	sld [smem:$0x3FFE];
	[sflag:s24] =	ssyncadd.s32 $0xFFFFFFFF  }
0x1d: {  	s27 =	simm.s32 $execute0_lowered;
	[smem:$0x3FD2] =	sst s26  }
0x1e: {  	s5 =	sshll.u32 s27, $0x1;
	_ =	strace $0x80000049;
	[dreg:$0x1] =	wrdreg $0xFFFFFFFF  }
0x1f: {  	s28 =	simm.s32 $_size_execute0_lowered;
	s3 =	sadd.s32 s3, s5;
	[dreg:$0x0] =	wrdreg $0x0  }
0x20: {  	s5 =	sshll.u32 s28, $0x1;
	[dreg:$0x2] =	wrdreg s3  }
0x21: {  	[dreg:$0x3] =	wrdreg s5  }
0x22: {  	[dreg:$0x4] =	wrdreg $0xC0  }
0x23: {  	_ =	task [dreg:s7], $0x5FFFF  }
0x24: {  	[dreg:$0x1] =	wrdreg $0xFFFFFFFF  }
0x25: {  	[dreg:$0x0] =	wrdreg $0x60  }
0x26: {  	[dreg:$0x2] =	wrdreg s25  }
0x27: {  	[dreg:$0x3] =	wrdreg s2  }
0x28: {  	[dreg:$0x4] =	wrdreg $0x9  }
0x29: {  	_ =	task.clear_ibuf [dreg:s7], $0x5FFFF;
	_ =	strace $0x90000049  }
0x2a: {  	s29 =	simm.s32 $0x9;
	_ =	strace $0x8000004B  }
0x2b: {  	_ =	swait.ge [sflag:s29], $0x1  }
0x2c: {  	[sflag:s29] =	ssyncadd.s32 $0xFFFFFFFF  }
0x2d: {  	_ =	strace $0x9000004B  }
0x2e: {  	_ =	sfence  }
0x2f: {  	s30 =	sld [smem:$0x0];
	_ =	sdelay $0x2  }
0x30: {  	s31 =	sshll.u32 s1, $0xD;
	s1 =	sshrl.u32 s1, $0x2  }
0x31: {  	s3 =	sand.u32 $0x4000, s31;
	s1 =	sadd.s32 s1, s30  }
0x32: {  	s0 =	sor.u32 s3, s0;
	s1 =	sshll.u32 s1, $0x11  }
0x33: {  	s0 =	sor.u32 s1, s0  }
0x34: {  	s0 =	sadd.s32 $0x8F2B, s0  }
0x35: {  	[sflag:s0] =	ssyncadd.remote.s32 $0x1  }
0x36: {  	_ =	sfence.sel $0xFFFF  }
0x37: {  	[dreg:$0x0] =	wrdreg $0xFFFFFFFF;
	(pc) =	sbr.abs _section_cstart, $3  }
0x38: {  	[dreg:$0x1] =	wrdreg $0xFFFFFFFF  }
0x39: {  	_ =	task.clear_ibuf [dreg:s7], $0x2FFFF;
	_ =	strace $0x9FFFFFFF  }
0x3a: {  	(tm) =	ssettm $0x7FFFFFFF  }
0x3b: {  	_ =	shalt  }
tec
execute0_lowered:
.L_overlay_start_1:
0x0: {  	(tag) =	ssettag $0x1  }
0x1: {  	s0 =	srdreg.scid  }
0x2: {  	s1 =	sshll.u32 s0, $0x4  }
0x3: {  	s6 =	rddreg [dreg:$0x0];
	s0 =	stileid.u32;
	s1 =	sand.u32 $0x10, s1  }
0x4: {  	s3 =	rddreg [dreg:$0x1];
	s5 =	simm.s32 $0x1;
	s1 =	sor.u32 s0, s1  }
0x5: {  	s31 =	simm.s32 $0x2;
	s13 =	simm.s32 $0x0;
	s2 =	sshll.u32 s1, $0x3  }
0x6: {  	s8 =	simm.s32 $0x2000;
	s9 =	simm.s32 $0x0;
	s4 =	ssub.s32 $0x400, s2  }
0x7: {  	s14 =	simm.s32 $0x0;
	s10 =	simm.s32 $0x0;
	s30 =	sand.u32 $0xF8, s4  }
.Ltmp0:
0x8: {  	s12 =	simm.s32 $0x0;
	p0 =	sne.s32 s30, $0x0;
	(pc) =	sbr.rel .LBB1_1-.Ltmp0, $4  }
0x9: {  	s1 =	rddreg [dreg:$0x2];
	s7 =	sshrl.u32 s4, $0x8;
	s5 =	simm.s32 @!p0 $0x0  }
0xa: {  	_ =	strace $0x8000004A;
	s4 =	simm.s32 $0x1;
	s5 =	sadd.s32 s5, s7  }
0xb: {  	s6 =	sadd.s32 $0x3400, s6;
	[sflag:s4] =	ssyncpa.u1 $0x0;
	s5 =	sshll.u32 s5, $0x2  }
0xc: {  	s11 =	smov.u32 s2;
	[sflag:s31] =	ssyncpa.u1 $0x0;
	s7 =	sor.u32 $0x1, s5  }
.LBB1_7:
0xd: {  	s15 =	sadd.s32 $0x800, s10  }
0xe: {  	s13 =	sadd.s32 $0x100, s11;
	s17 =	smov.u32 s11;
	p1 =	sgt.s32 s15, $0x1FFF  }
0xf: {  	s17 =	smov.u32 @p1 s13  }
0x10: {  	s15 =	simm.s32 @p1 $0x0;
	p1 =	sgt.s32 s17, $0x3FF  }
0x11: {  	s17 =	smov.u32 @p1 s2;
	p1 =	sne.s32 s12, s7  }
.Ltmp1:
0x12: {  	p0 =	slt.u32 s12, $0x2;
	(pc) =	sbr.rel @!p1 .LBB1_8-.Ltmp1, $4  }
0x13: {  	s16 =	simm.s32 @!p0 $0x2  }
0x14: {  	s14 =	smov.u32 s11;
	s9 =	sadd.s32 $0x4000, s9;
	_ =	swait.ge @!p0 [sflag:s16], $0x4000  }
0x15: {  	s13 =	smov.u32 s10;
	[sflag:s16] =	ssyncset.done @!p0 $0x0;
	s10 =	smov.u32 s15  }
0x16: {  	s12 =	sadd.s32 $0x1, s12;
	[sflag:s16] =	ssyncadd.s32 @!p0 $0xFFFFC000;
	s11 =	smov.u32 s17  }
.LBB1_1:
0x17: {  	p0 =	sge.u32 s12, s5  }
0x18: {  	s15 =	sand.u32 @!p0 $0x78, s10;
	s16 =	sshll.u32 @!p0 s11, $0xD;
	s17 =	sshll.u32 @!p0 s11, $0x7  }
0x19: {  	s18 =	sshll.u32 @!p0 s10, $0x3;
	s16 =	sand.u32 @!p0 $0x7F0000, s16;
	s17 =	sand.u32 @!p0 $0x380, s17  }
0x1a: {  	s16 =	sadd.s32 @!p0 s16, s18;
	s18 =	sand.u32 @!p0 $0x1C00, s18;
	s15 =	sor.u32 @!p0 s17, s15  }
0x1b: {  	s16 =	sand.u32 @!p0 $0x7FE000, s16;
	s15 =	sor.u32 @!p0 s18, s15  }
0x1c: {  	s17 =	sxor.u32 @!p0 $0xFFFFFFFF, s12;
	s15 =	sor.u32 @!p0 s16, s15  }
0x1d: {  	s31 =	sadd.s32 $0xFFFFFFFF, s12;
	s16 =	sshll.u32 @!p0 s17, $0xE;
	s15 =	sshrl.u32 @!p0 s15, $0x3  }
0x1e: {  	s17 =	sand.u32 @!p0 $0x7, s10;
	s16 =	sand.u32 @!p0 $0x4000, s16;
	s15 =	sadd.s32 @!p0 s6, s15  }
0x1f: {  	[tilespmem:s16], [sflag:$0x1] =	stream.linear.gather @!p0 [hbm4b:s15+s17], $0x4000, $0x38;
	[tilespmem:$0x10000] =	vst v63  }
0x20: {  	p0 =	sge.u32 s31, s5  }
.Ltmp2:
0x21: {  	_ = 	snop;
	(pc) =	sbr.rel @p0 .LBB1_7-.Ltmp2, $1  }
0x22: {  	_ =	sdelay $0x3  }
0x23: {  	s15 =	sand.u32 $0x4000, s9  }
0x24: {  	_ =	swait.ge [sflag:s4], $0x4000;
	s18 =	sshll.u32 s12, $0xE;
	s16 =	sor.u32 $0x8100, s15  }
0x25: {  	s17 =	sor.u32 $0x800, s15;
	[sflag:s4] =	ssyncset.done $0x0;
	s31 =	sand.u32 $0x4000, s18  }
0x26: {  	s18 =	simm.s32 $0x0;
	[sflag:s4] =	ssyncadd.s32 $0xFFFFC000;
	s15 =	sor.u32 $0x8000, s31  }
.LBB1_3:
0x27: {  	v0 =	vld [tilespmem:s17+$0x470]  }
0x28: {  	v1 =	vld [tilespmem:s17+$0xFFFFF810]  }
0x29: {  	v2 =	vld [tilespmem:s17+$0xFFFFF820]  }
0x2a: {  	v3 =	vld [tilespmem:s17+$0xFFFFF830]  }
0x2b: {  	v4 =	vld [tilespmem:s17+$0xFFFFF840]  }
0x2c: {  	v5 =	vld [tilespmem:s17+$0xFFFFF850];
	[tilespmem:s16+$0xF0] =	vst v0  }
0x2d: {  	[tilespmem:s16+$0xFFFFFF10] =	vst v1;
	v0 =	vld [tilespmem:s17+$0xFFFFF860]  }
0x2e: {  	[tilespmem:s16+$0xFFFFFF20] =	vst v2;
	v1 =	vld [tilespmem:s17+$0xFFFFF870]  }
0x2f: {  	[tilespmem:s16+$0xFFFFFF30] =	vst v3;
	v2 =	vld [tilespmem:s17+$0xFFFFFC00]  }
0x30: {  	[tilespmem:s16+$0xFFFFFF40] =	vst v4;
	v3 =	vld [tilespmem:s17+$0xFFFFFC10]  }
0x31: {  	[tilespmem:s16+$0xFFFFFF50] =	vst v5;
	v4 =	vld [tilespmem:s17+$0xFFFFFC20]  }
0x32: {  	v5 =	vld [tilespmem:s17+$0x420];
	[tilespmem:s16+$0xFFFFFF60] =	vst v0  }
0x33: {  	v0 =	vld [tilespmem:s17+$0xFFFFFC30];
	[tilespmem:s16+$0xFFFFFF70] =	vst v1  }
0x34: {  	v1 =	vld [tilespmem:s17+$0xFFFFFC40];
	[tilespmem:s16+$0xFFFFFF80] =	vst v2  }
0x35: {  	[tilespmem:s16+$0xFFFFFF90] =	vst v3;
	v3 =	vld [tilespmem:s17+$0xFFFFFC60]  }
0x36: {  	[tilespmem:s16+$0xFFFFFFA0] =	vst v4;
	v4 =	vld [tilespmem:s17+$0xFFFFFC70]  }
0x37: {  	v2 =	vld [tilespmem:s17+$0xFFFFFC50];
	[tilespmem:s16+$0xA0] =	vst v5  }
0x38: {  	[tilespmem:s16+$0xFFFFFFB0] =	vst v0;
	v0 =	vld [tilespmem:s17+$0x0]  }
0x39: {  	[tilespmem:s16+$0xFFFFFFC0] =	vst v1;
	v1 =	vld [tilespmem:s17+$0x10]  }
0x3a: {  	[tilespmem:s16+$0xFFFFFFE0] =	vst v3;
	v3 =	vld [tilespmem:s17+$0x30]  }
0x3b: {  	[tilespmem:s16+$0xFFFFFFF0] =	vst v4;
	v4 =	vld [tilespmem:s17+$0x40]  }
0x3c: {  	[tilespmem:s16+$0xFFFFFFD0] =	vst v2;
	v2 =	vld [tilespmem:s17+$0x20]  }
0x3d: {  	[tilespmem:s16+$0x0] =	vst v0;
	v0 =	vld [tilespmem:s17+$0x50]  }
0x3e: {  	[tilespmem:s16+$0x10] =	vst v1;
	v1 =	vld [tilespmem:s17+$0x60]  }
0x3f: {  	[tilespmem:s16+$0x30] =	vst v3;
	v3 =	vld [tilespmem:s17+$0x400]  }
0x40: {  	[tilespmem:s16+$0x40] =	vst v4;
	v4 =	vld [tilespmem:s17+$0x410]  }
0x41: {  	[tilespmem:s16+$0x20] =	vst v2;
	v2 =	vld [tilespmem:s17+$0x70]  }
0x42: {  	[tilespmem:s16+$0x50] =	vst v0;
	v0 =	vld [tilespmem:s17+$0x430]  }
0x43: {  	[tilespmem:s16+$0x60] =	vst v1;
	v1 =	vld [tilespmem:s17+$0x440]  }
0x44: {  	[tilespmem:s16+$0x80] =	vst v3;
	v3 =	vld [tilespmem:s17+$0x450]  }
0x45: {  	[tilespmem:s16+$0x90] =	vst v4;
	v4 =	vld [tilespmem:s17+$0x460]  }
0x46: {  	s20 =	simm.s32 $0x0;
	s21 =	sadd.s32 $0x1000, s17;
	s19 =	smov.u32 s16;
	[tilespmem:s16+$0x70] =	vst v2;
	v2 =	vld [tilespmem:s17+$0xFFFFF800]  }
.LBB1_4:
0x47: {  	v5 =	vld [tilespmem:s21+$0x470];
	s20 =	sadd.s32 $0x200, s20;
	[tilespmem:s19+$0xB0] =	vst v0  }
0x48: {  	v0 =	vld [tilespmem:s21+$0xFFFFF810];
	p0 =	slt.u32 s20, $0x600;
	[tilespmem:s19+$0xC0] =	vst v1  }
0x49: {  	v1 =	vld [tilespmem:s21+$0xFFFFF820];
	[tilespmem:s19+$0xD0] =	vst v3  }
0x4a: {  	v3 =	vld [tilespmem:s21+$0xFFFFF830];
	[tilespmem:s19+$0xE0] =	vst v4  }
0x4b: {  	v4 =	vld [tilespmem:s21+$0xFFFFF840];
	[tilespmem:s19+$0xFFFFFF00] =	vst v2;
	s19 =	sadd.s32 $0x200, s19  }
0x4c: {  	v2 =	vld [tilespmem:s21+$0xFFFFF850];
	[tilespmem:s19+$0xF0] =	vst v5  }
0x4d: {  	[tilespmem:s19+$0xFFFFFF10] =	vst v0;
	v0 =	vld [tilespmem:s21+$0xFFFFF860]  }
0x4e: {  	[tilespmem:s19+$0xFFFFFF20] =	vst v1;
	v1 =	vld [tilespmem:s21+$0xFFFFF870]  }
0x4f: {  	[tilespmem:s19+$0xFFFFFF30] =	vst v3;
	v3 =	vld [tilespmem:s21+$0xFFFFFC00]  }
0x50: {  	[tilespmem:s19+$0xFFFFFF40] =	vst v4;
	v4 =	vld [tilespmem:s21+$0xFFFFFC10]  }
0x51: {  	[tilespmem:s19+$0xFFFFFF50] =	vst v2;
	v2 =	vld [tilespmem:s21+$0xFFFFFC20]  }
0x52: {  	[tilespmem:s19+$0xFFFFFF60] =	vst v0;
	v0 =	vld [tilespmem:s21+$0xFFFFFC30]  }
0x53: {  	[tilespmem:s19+$0xFFFFFF70] =	vst v1;
	v1 =	vld [tilespmem:s21+$0xFFFFFC40]  }
0x54: {  	[tilespmem:s19+$0xFFFFFF80] =	vst v3;
	v3 =	vld [tilespmem:s21+$0xFFFFFC50]  }
0x55: {  	[tilespmem:s19+$0xFFFFFF90] =	vst v4;
	v4 =	vld [tilespmem:s21+$0xFFFFFC60]  }
0x56: {  	[tilespmem:s19+$0xFFFFFFA0] =	vst v2;
	v2 =	vld [tilespmem:s21+$0xFFFFFC70]  }
0x57: {  	[tilespmem:s19+$0xFFFFFFB0] =	vst v0;
	v0 =	vld [tilespmem:s21+$0x0]  }
0x58: {  	[tilespmem:s19+$0xFFFFFFC0] =	vst v1;
	v1 =	vld [tilespmem:s21+$0x10]  }
0x59: {  	[tilespmem:s19+$0xFFFFFFD0] =	vst v3;
	v3 =	vld [tilespmem:s21+$0x20]  }
0x5a: {  	[tilespmem:s19+$0xFFFFFFE0] =	vst v4;
	v4 =	vld [tilespmem:s21+$0x30]  }
0x5b: {  	[tilespmem:s19+$0xFFFFFFF0] =	vst v2;
	v2 =	vld [tilespmem:s21+$0x40]  }
0x5c: {  	[tilespmem:s19+$0x0] =	vst v0;
	v0 =	vld [tilespmem:s21+$0x50]  }
0x5d: {  	[tilespmem:s19+$0x10] =	vst v1;
	v1 =	vld [tilespmem:s21+$0x60]  }
0x5e: {  	[tilespmem:s19+$0x20] =	vst v3;
	v3 =	vld [tilespmem:s21+$0x70]  }
0x5f: {  	[tilespmem:s19+$0x30] =	vst v4;
	v4 =	vld [tilespmem:s21+$0x400]  }
0x60: {  	[tilespmem:s19+$0x40] =	vst v2;
	v2 =	vld [tilespmem:s21+$0x410]  }
0x61: {  	[tilespmem:s19+$0x50] =	vst v0;
	v5 =	vld [tilespmem:s21+$0x420]  }
.Ltmp3:
0x62: {  	[tilespmem:s19+$0x60] =	vst v1;
	v0 =	vld [tilespmem:s21+$0x430];
	(pc) =	sbr.rel @p0 .LBB1_4-.Ltmp3, $4  }
0x63: {  	[tilespmem:s19+$0x70] =	vst v3;
	v1 =	vld [tilespmem:s21+$0x440]  }
0x64: {  	[tilespmem:s19+$0x80] =	vst v4;
	v3 =	vld [tilespmem:s21+$0x450]  }
0x65: {  	[tilespmem:s19+$0x90] =	vst v2;
	v4 =	vld [tilespmem:s21+$0x460]  }
0x66: {  	v2 =	vld [tilespmem:s21+$0xFFFFF800];
	[tilespmem:s19+$0xA0] =	vst v5;
	s21 =	sadd.s32 $0x1000, s21  }
0x67: {  	s18 =	sadd.s32 $0x1, s18  }
0x68: {  	p0 =	sne.s32 s18, $0x8  }
.Ltmp4:
0x69: {  	[tilespmem:s19+$0xB0] =	vst v0;
	(pc) =	sbr.rel @p0 .LBB1_3-.Ltmp4, $4  }
0x6a: {  	[tilespmem:s19+$0xC0] =	vst v1  }
0x6b: {  	[tilespmem:s19+$0xD0] =	vst v3  }
0x6c: {  	[tilespmem:s19+$0xE0] =	vst v4  }
0x6d: {  	s16 =	sadd.s32 $0x800, s16;
	s17 =	sadd.s32 $0x80, s17;
	[tilespmem:s19+$0xFFFFFF00] =	vst v2  }
.Ltmp5:
0x6e: {  	(pc) =	sbr.rel .LBB1_7-.Ltmp5, $4  }
0x6f: {  	s14 =	sshll.u32 s14, $0xA;
	s16 =	sshrl.u32 s13, $0x3;
	s31 =	sand.u32 $0x7, s13  }
0x70: {  	s16 =	sand.u32 $0x3FF, s16;
	s14 =	sadd.s32 s3, s14;
	s13 =	sshll.u32 s31, $0x12  }
0x71: {  	s14 =	sadd.s32 s16, s14;
	s13 =	sor.u32 $0x800, s13  }
0x72: {  	[hbm4b:s14+s13] =	stream.strided.scatter [tilespmem:s15], [sflag:$0x2], $0x4000, s8, s13, $0x38;
	[tilespmem:$0x10000] =	vst v63  }
.LBB1_8:
0x73: {  	_ =	sfence.sel $0x180000  }
0x74: {  	s2 =	simm.s32 $0x1;
	[bflag:$0x0] =	sbarrier.arrive $0xFFFF  }
0x75: {  	s31 =	simm.s32 $0x2;
	[sflag:s2] =	ssyncpa.u1 $0x1  }
0x76: {  	[sflag:s31] =	ssyncpa.u1 $0x1  }
0x77: {  	p0 =	sne.s32 s0, $0x0;
	_ =	strace $0x9000004A  }
0x78: {  	s0 =	sadd.s32 @!p0 $0x100000, s1;
	[bflag:$0x2] =	sbarrier.arrive $0xFFFF  }
0x79: {  	[sflag:s0] =	ssyncadd.tile.s32 @!p0 $0x1;
	_ =	shalt  }
.Lfunc_end1:
_tile_overlayer_lowered:
.L_overlay_start_2:
0x7a: {  	(tag) =	ssettag $0x2  }
0x7b: {  	s0 =	rddreg [dreg:$0x0];
	s2 =	stileid.u32  }
0x7c: {  	s1 =	rddreg [dreg:$0x1];
	p0 =	sne.s32 s2, $0x0  }
0x7d: {  	s3 =	rddreg [dreg:$0x2];
	[bflag:$0x3] =	sbarrier.arrive $0xFFFF;
	s2 =	simm.s32 @!p0 $0x1C01  }
0x7e: {  	[timem:s3], [sflag:s2] =	dma.local @!p0 [hbm:s0], s1  }
0x7f: {  	s0 =	simm.s32 @!p0 $0x1  }
0x80: {  	_ =	swait.ge @!p0 [sflag:s0], s1  }
0x81: {  	s1 =	ssub.s32 @!p0 $0x0, s1;
	[sflag:s0] =	ssyncset.done @!p0 $0x0  }
0x82: {  	[sflag:s0] =	ssyncadd.s32 @!p0 s1  }
0x83: {  	[bflag:$0x3] =	sbarrier.arrive $0xFFFF  }
0x84: {  	_ =	shalt  }

</sc_bundles>
